<compile_context>
chip_gen: v7x
topology: tpu7x:2x2x1
jax: 0.10.2.dev20260603
libtpu: 0.0.44.dev20260713+nightly
codegen_flags: <defaults>
</compile_context>

<pallas_src>
import functools

import jax
import jax.numpy as jnp
from jax import lax
from jax.experimental import pallas as pl
from jax.experimental.pallas import tpu as pltpu
from jax.experimental.pallas import tpu_sc as plsc

N_NODES = 10000
N_EDGES = 320000
LANES = 16


def _table_body(x_ref, wd_ref, p_ref):
    p_ref[...] = jnp.exp(-lax.dot_general(
        wd_ref[...], x_ref[...], (((0,), (1,)), ((), ())),
        preferred_element_type=jnp.float32))


NBLK = 79
EDGES_W = NBLK * 128


def _sc_body(tab_hbm, ei_hbm, out_hbm, tab_v, row_v, col_v, os_v, ot_v, sem,
             *, num_cores):
    wid = lax.axis_index("s") * num_cores + lax.axis_index("c")
    bstart = 78 * wid + jnp.maximum(wid - 28, 0)
    ebase = bstart * 128
    h1 = pltpu.async_copy(tab_hbm, tab_v, sem)
    h2 = pltpu.async_copy(ei_hbm.at[0, pl.ds(ebase, EDGES_W)], row_v, sem)
    h3 = pltpu.async_copy(ei_hbm.at[1, pl.ds(ebase, EDGES_W)], col_v, sem)
    h1.wait()
    h2.wait()
    h3.wait()

    @plsc.parallel_loop(0, NBLK, step=1, unroll=4)
    def blk(b):
        ein = b * 128
        for g in range(128 // LANES):
            r = row_v[pl.ds(ein + g * LANES, LANES)]
            c = col_v[pl.ds(ein + g * LANES, LANES)]
            eu = plsc.load_gather(tab_v, [r]) * \
                plsc.load_gather(tab_v, [c + N_NODES])
            ew = plsc.load_gather(tab_v, [r + 2 * N_NODES]) * \
                plsc.load_gather(tab_v, [c + 3 * N_NODES])
            s = 1.0 / (1.0 + eu)
            t = 1.0 / (1.0 + ew)
            os_v[b, 0, pl.ds(g * LANES, LANES)] = s
            os_v[b, 1, pl.ds(g * LANES, LANES)] = -s
            ot_v[b, 0, pl.ds(g * LANES, LANES)] = -t
            ot_v[b, 1, pl.ds(g * LANES, LANES)] = t

    h4 = pltpu.async_copy(os_v, out_hbm.at[0, pl.ds(bstart, NBLK)], sem)
    h5 = pltpu.async_copy(ot_v, out_hbm.at[1, pl.ds(bstart, NBLK)], sem)
    h4.wait()
    h5.wait()


def kernel(x, edge_index, W):
    Wr, Wc = W[:, :128], W[:, 128:]
    wd = jnp.stack([Wr[1] - Wr[0], Wc[1] - Wc[0],
                    Wr[2] - Wr[3], Wc[2] - Wc[3]], axis=1)
    wd_pad = jnp.pad(wd, ((0, 0), (0, 4)))

    p8 = pl.pallas_call(
        _table_body,
        out_shape=jax.ShapeDtypeStruct((8, N_NODES), jnp.float32),
    )(x, wd_pad)
    tab = p8[:4].reshape(-1)

    info = plsc.get_sparse_core_info()

    mesh = plsc.VectorSubcoreMesh(core_axis_name="c", subcore_axis_name="s")
    sc = pl.kernel(
        functools.partial(_sc_body, num_cores=info.num_cores),
        out_type=jax.ShapeDtypeStruct((2, N_EDGES // 128, 2, 128),
                                      jnp.float32),
        mesh=mesh,
        compiler_params=pltpu.CompilerParams(needs_layout_passes=False,
                                             use_tc_tiling_on_sc=False,
                                             skip_device_barrier=True),
        scratch_types=[
            pltpu.VMEM((N_NODES * 4,), jnp.float32),
            pltpu.VMEM((EDGES_W,), jnp.int32),
            pltpu.VMEM((EDGES_W,), jnp.int32),
            pltpu.VMEM((NBLK, 2, 128), jnp.float32),
            pltpu.VMEM((NBLK, 2, 128), jnp.float32),
            pltpu.SemaphoreType.DMA,
        ],
    )
    st4 = sc(tab, edge_index)
    return st4.transpose(1, 3, 0, 2).reshape(N_EDGES, 2, 2)

# --- scband reference (transcript-rebuilt; emitter-appended) ---
"""Pipeline reference for scband-attention-sheaf-learner-81484119540401 (READ-ONLY COPY).

The authoritative reference and input builder live on the scoring server;
editing this copy changes nothing except your own understanding.
"""

import jax, jax.numpy as jnp
import numpy as np

IN_CHANNELS = 128
D = 2
N_NODES = 10000
N_EDGES = 320000


def setup_inputs(seed: int = 0) -> dict:
    key = jax.random.key(seed)
    k1, k2, k3 = jax.random.split(key, 3)
    x = jax.random.normal(k1, (N_NODES, IN_CHANNELS), dtype=jnp.float32)
    edge_index = jax.random.randint(k2, (2, N_EDGES), 0, N_NODES, dtype=jnp.int32)
    # linear1: nn.Linear(in_channels * 2, d**2, bias=False) -> weight [d*d, 2*in_channels]
    bound = 1.0 / np.sqrt(2 * IN_CHANNELS)
    W = jax.random.uniform(k3, (D * D, 2 * IN_CHANNELS), dtype=jnp.float32, minval=-bound, maxval=bound)
    return {"x": x, "edge_index": edge_index, "W": W}


def reference(x, edge_index, W):
    row = edge_index[0]
    col = edge_index[1]
    x_row = jnp.take(x, row, axis=0)
    x_col = jnp.take(x, col, axis=0)
    cat = jnp.concatenate([x_row, x_col], axis=1)
    maps = (cat @ W.T).reshape(-1, D, D)
    eye = jnp.eye(D, dtype=maps.dtype)[None, :, :]
    result = eye - jax.nn.softmax(maps, axis=-1)
    return result

if __name__ == "__main__":
    import jax
    _d = setup_inputs()
    print(jax.jit(kernel)(*tuple(_d.values())))

</pallas_src>

<mosaic_0001>
#map = affine_map<(d0, d1) -> (0)>
#map1 = affine_map<(d0, d1) -> (0, 0)>
#map2 = affine_map<(d0, d1) -> (0, 0, 0, 0)>
module attributes {stable_mosaic.version = 14 : i64} {
  func.func @_sc_body(%arg0: i32, %arg1: i32, %arg2: memref<40000xf32, #tpu.memory_space<hbm>>, %arg3: memref<2x320000xi32, #tpu.memory_space<hbm>>, %arg4: memref<2x2500x2x128xf32, #tpu.memory_space<hbm>>, %arg5: memref<40000xf32, #tpu.memory_space<vmem>>, %arg6: memref<10112xi32, #tpu.memory_space<vmem>>, %arg7: memref<10112xi32, #tpu.memory_space<vmem>>, %arg8: memref<79x2x128xf32, #tpu.memory_space<vmem>>, %arg9: memref<79x2x128xf32, #tpu.memory_space<vmem>>, %arg10: memref<!tpu.dma_semaphore, #tpu.memory_space<semaphore_mem>>) attributes {dimension_semantics = [#tpu.dimension_semantics<core_parallel>, #tpu.dimension_semantics<subcore_parallel>], iteration_bounds = array<i64: 2, 16>, scalar_prefetch = 0 : i64, scratch_operands = 6 : i64, tpu.core_type = #tpu.core_type<sc_vector_subcore>, window_params = [{transform_indices = #map}, {transform_indices = #map1}, {transform_indices = #map2}]} {
    %mul3A = arith.constant 2 : i32
    %mul3A_0 = arith.muli %arg1, %mul3A : i32
    %add3A = arith.addi %mul3A_0, %arg0 : i32
    %mul3A_1 = arith.constant 78 : i32
    %mul3A_2 = arith.muli %mul3A_1, %add3A : i32
    %sub3A = arith.constant 28 : i32
    %sub3A_3 = arith.subi %add3A, %sub3A : i32
    %max3A = arith.constant 0 : i32
    %max3A_4 = arith.maxsi %sub3A_3, %max3A : i32
    %add3A_5 = arith.addi %mul3A_2, %max3A_4 : i32
    %mul3A_6 = arith.constant 128 : i32
    %mul3A_7 = arith.muli %add3A_5, %mul3A_6 : i32
    tpu.enqueue_dma source(%arg2 : memref<40000xf32, #tpu.memory_space<hbm>>) target(%arg5 : memref<40000xf32, #tpu.memory_space<vmem>>) target_semaphore(%arg10 : memref<!tpu.dma_semaphore, #tpu.memory_space<semaphore_mem>>)
    %dma_start3A = arith.constant 0 : i32
    %dma_start3A_8 = tpu.memref_slice %arg3[%dma_start3A, %mul3A_7] : memref<2x320000xi32, #tpu.memory_space<hbm>> -> memref<1x10112xi32, #tpu.memory_space<hbm>>
    %dma_start3A_9 = tpu.memref_squeeze %dma_start3A_8 : memref<1x10112xi32, #tpu.memory_space<hbm>> -> memref<10112xi32, #tpu.memory_space<hbm>>
    %dma_start3A_10 = tpu.memref_slice %arg3[%dma_start3A, %mul3A_7] : memref<2x320000xi32, #tpu.memory_space<hbm>> -> memref<1x10112xi32, #tpu.memory_space<hbm>>
    %dma_start3A_11 = tpu.memref_squeeze %dma_start3A_10 : memref<1x10112xi32, #tpu.memory_space<hbm>> -> memref<10112xi32, #tpu.memory_space<hbm>>
    tpu.enqueue_dma source(%dma_start3A_11 : memref<10112xi32, #tpu.memory_space<hbm>>) target(%arg6 : memref<10112xi32, #tpu.memory_space<vmem>>) target_semaphore(%arg10 : memref<!tpu.dma_semaphore, #tpu.memory_space<semaphore_mem>>)
    %dma_start3A_12 = arith.constant 1 : i32
    %dma_start3A_13 = tpu.memref_slice %arg3[%dma_start3A_12, %mul3A_7] : memref<2x320000xi32, #tpu.memory_space<hbm>> -> memref<1x10112xi32, #tpu.memory_space<hbm>>
    %dma_start3A_14 = tpu.memref_squeeze %dma_start3A_13 : memref<1x10112xi32, #tpu.memory_space<hbm>> -> memref<10112xi32, #tpu.memory_space<hbm>>
    %dma_start3A_15 = tpu.memref_slice %arg3[%dma_start3A_12, %mul3A_7] : memref<2x320000xi32, #tpu.memory_space<hbm>> -> memref<1x10112xi32, #tpu.memory_space<hbm>>
    %dma_start3A_16 = tpu.memref_squeeze %dma_start3A_15 : memref<1x10112xi32, #tpu.memory_space<hbm>> -> memref<10112xi32, #tpu.memory_space<hbm>>
    tpu.enqueue_dma source(%dma_start3A_16 : memref<10112xi32, #tpu.memory_space<hbm>>) target(%arg7 : memref<10112xi32, #tpu.memory_space<vmem>>) target_semaphore(%arg10 : memref<!tpu.dma_semaphore, #tpu.memory_space<semaphore_mem>>)
    tpu.wait_dma2 semaphore(%arg10 : memref<!tpu.dma_semaphore, #tpu.memory_space<semaphore_mem>>) src(%arg2 : memref<40000xf32, #tpu.memory_space<hbm>>) dst(%arg5 : memref<40000xf32, #tpu.memory_space<vmem>>)
    %dma_wait3A = arith.constant 0 : i32
    %dma_wait3A_17 = tpu.memref_slice %arg3[%dma_wait3A, %mul3A_7] : memref<2x320000xi32, #tpu.memory_space<hbm>> -> memref<1x10112xi32, #tpu.memory_space<hbm>>
    %dma_wait3A_18 = tpu.memref_squeeze %dma_wait3A_17 : memref<1x10112xi32, #tpu.memory_space<hbm>> -> memref<10112xi32, #tpu.memory_space<hbm>>
    %dma_wait3A_19 = tpu.memref_slice %arg3[%dma_wait3A, %mul3A_7] : memref<2x320000xi32, #tpu.memory_space<hbm>> -> memref<1x10112xi32, #tpu.memory_space<hbm>>
    %dma_wait3A_20 = tpu.memref_squeeze %dma_wait3A_19 : memref<1x10112xi32, #tpu.memory_space<hbm>> -> memref<10112xi32, #tpu.memory_space<hbm>>
    tpu.wait_dma2 semaphore(%arg10 : memref<!tpu.dma_semaphore, #tpu.memory_space<semaphore_mem>>) src(%dma_wait3A_20 : memref<10112xi32, #tpu.memory_space<hbm>>) dst(%arg6 : memref<10112xi32, #tpu.memory_space<vmem>>)
    %dma_wait3A_21 = arith.constant 1 : i32
    %dma_wait3A_22 = tpu.memref_slice %arg3[%dma_wait3A_21, %mul3A_7] : memref<2x320000xi32, #tpu.memory_space<hbm>> -> memref<1x10112xi32, #tpu.memory_space<hbm>>
    %dma_wait3A_23 = tpu.memref_squeeze %dma_wait3A_22 : memref<1x10112xi32, #tpu.memory_space<hbm>> -> memref<10112xi32, #tpu.memory_space<hbm>>
    %dma_wait3A_24 = tpu.memref_slice %arg3[%dma_wait3A_21, %mul3A_7] : memref<2x320000xi32, #tpu.memory_space<hbm>> -> memref<1x10112xi32, #tpu.memory_space<hbm>>
    %dma_wait3A_25 = tpu.memref_squeeze %dma_wait3A_24 : memref<1x10112xi32, #tpu.memory_space<hbm>> -> memref<10112xi32, #tpu.memory_space<hbm>>
    tpu.wait_dma2 semaphore(%arg10 : memref<!tpu.dma_semaphore, #tpu.memory_space<semaphore_mem>>) src(%dma_wait3A_25 : memref<10112xi32, #tpu.memory_space<hbm>>) dst(%arg7 : memref<10112xi32, #tpu.memory_space<vmem>>)
    %parallel_loop3A = arith.constant 0 : i32
    %parallel_loop3A_26 = arith.constant 79 : i32
    %parallel_loop3A_27 = arith.constant 1 : i32
    scf.for %parallel_loop3A_64 = %parallel_loop3A to %parallel_loop3A_26 step %parallel_loop3A_27  : i32 {
      %parallel_loop3A_65 = arith.constant 128 : i32
      %parallel_loop3A_66 = arith.muli %parallel_loop3A_64, %parallel_loop3A_65 : i32
      %parallel_loop3A_67 = arith.constant 0 : i32
      %parallel_loop3A_68 = arith.addi %parallel_loop3A_66, %parallel_loop3A_67 : i32
      %parallel_loop3A_69 = arith.index_cast %parallel_loop3A_68 : i32 to index
      %parallel_loop3A_70 = tpu.vector_load %arg6[%parallel_loop3A_69] {strides = array<i32>} : memref<10112xi32, #tpu.memory_space<vmem>>, vector<16xi32>,
      %parallel_loop3A_71 = arith.constant 0 : i32
      %parallel_loop3A_72 = arith.addi %parallel_loop3A_66, %parallel_loop3A_71 : i32
      %parallel_loop3A_73 = arith.index_cast %parallel_loop3A_72 : i32 to index
      %parallel_loop3A_74 = tpu.vector_load %arg7[%parallel_loop3A_73] {strides = array<i32>} : memref<10112xi32, #tpu.memory_space<vmem>>, vector<16xi32>,
      %parallel_loop3A_75 = tpu.vector_load_idx %arg5[%parallel_loop3A_70] : memref<40000xf32, #tpu.memory_space<vmem>>[vector<16xi32>], vector<16xf32>,
      %parallel_loop3A_76 = arith.constant 10000 : i32
      %parallel_loop3A_77 = vector.broadcast %parallel_loop3A_76 : i32 to vector<16xi32>
      %parallel_loop3A_78 = arith.addi %parallel_loop3A_74, %parallel_loop3A_77 : vector<16xi32>
      %parallel_loop3A_79 = tpu.vector_load_idx %arg5[%parallel_loop3A_78] : memref<40000xf32, #tpu.memory_space<vmem>>[vector<16xi32>], vector<16xf32>,
      %parallel_loop3A_80 = arith.mulf %parallel_loop3A_75, %parallel_loop3A_79 : vector<16xf32>
      %parallel_loop3A_81 = arith.constant 20000 : i32
      %parallel_loop3A_82 = vector.broadcast %parallel_loop3A_81 : i32 to vector<16xi32>
      %parallel_loop3A_83 = arith.addi %parallel_loop3A_70, %parallel_loop3A_82 : vector<16xi32>
      %parallel_loop3A_84 = tpu.vector_load_idx %arg5[%parallel_loop3A_83] : memref<40000xf32, #tpu.memory_space<vmem>>[vector<16xi32>], vector<16xf32>,
      %parallel_loop3A_85 = arith.constant 30000 : i32
      %parallel_loop3A_86 = vector.broadcast %parallel_loop3A_85 : i32 to vector<16xi32>
      %parallel_loop3A_87 = arith.addi %parallel_loop3A_74, %parallel_loop3A_86 : vector<16xi32>
      %parallel_loop3A_88 = tpu.vector_load_idx %arg5[%parallel_loop3A_87] : memref<40000xf32, #tpu.memory_space<vmem>>[vector<16xi32>], vector<16xf32>,
      %parallel_loop3A_89 = arith.mulf %parallel_loop3A_84, %parallel_loop3A_88 : vector<16xf32>
      %parallel_loop3A_90 = arith.constant 1.000000e+00 : f32
      %parallel_loop3A_91 = vector.broadcast %parallel_loop3A_90 : f32 to vector<16xf32>
      %parallel_loop3A_92 = arith.addf %parallel_loop3A_91, %parallel_loop3A_80 : vector<16xf32>
      %parallel_loop3A_93 = arith.constant 1.000000e+00 : f32
      %parallel_loop3A_94 = vector.broadcast %parallel_loop3A_93 : f32 to vector<16xf32>
      %parallel_loop3A_95 = arith.divf %parallel_loop3A_94, %parallel_loop3A_92 : vector<16xf32>
      %parallel_loop3A_96 = arith.constant 1.000000e+00 : f32
      %parallel_loop3A_97 = vector.broadcast %parallel_loop3A_96 : f32 to vector<16xf32>
      %parallel_loop3A_98 = arith.addf %parallel_loop3A_97, %parallel_loop3A_89 : vector<16xf32>
      %parallel_loop3A_99 = arith.constant 1.000000e+00 : f32
      %parallel_loop3A_100 = vector.broadcast %parallel_loop3A_99 : f32 to vector<16xf32>
      %parallel_loop3A_101 = arith.divf %parallel_loop3A_100, %parallel_loop3A_98 : vector<16xf32>
      %parallel_loop3A_102 = arith.constant 0 : i32
      %parallel_loop3A_103 = arith.index_cast %parallel_loop3A_64 : i32 to index
      %parallel_loop3A_104 = arith.index_cast %parallel_loop3A_102 : i32 to index
      %parallel_loop3A_105 = arith.constant 0 : index
      %parallel_loop3A_106 = tpu.vector_load %arg8[%parallel_loop3A_103, %parallel_loop3A_104, %parallel_loop3A_105] {strides = array<i32>} : memref<79x2x128xf32, #tpu.memory_space<vmem>>, vector<16xf32>,
      tpu.vector_store %arg8[%parallel_loop3A_103, %parallel_loop3A_104, %parallel_loop3A_105], %parallel_loop3A_95 {strides = array<i32>} : memref<79x2x128xf32, #tpu.memory_space<vmem>>, vector<16xf32>,
      %parallel_loop3A_107 = arith.constant 0.000000e+00 : f32
      %parallel_loop3A_108 = vector.broadcast %parallel_loop3A_107 : f32 to vector<16xf32>
      %parallel_loop3A_109 = arith.subf %parallel_loop3A_108, %parallel_loop3A_95 : vector<16xf32>
      %parallel_loop3A_110 = arith.constant 1 : i32
      %parallel_loop3A_111 = arith.index_cast %parallel_loop3A_64 : i32 to index
      %parallel_loop3A_112 = arith.index_cast %parallel_loop3A_110 : i32 to index
      %parallel_loop3A_113 = arith.constant 0 : index
      %parallel_loop3A_114 = tpu.vector_load %arg8[%parallel_loop3A_111, %parallel_loop3A_112, %parallel_loop3A_113] {strides = array<i32>} : memref<79x2x128xf32, #tpu.memory_space<vmem>>, vector<16xf32>,
      tpu.vector_store %arg8[%parallel_loop3A_111, %parallel_loop3A_112, %parallel_loop3A_113], %parallel_loop3A_109 {strides = array<i32>} : memref<79x2x128xf32, #tpu.memory_space<vmem>>, vector<16xf32>,
      %parallel_loop3A_115 = arith.constant 0.000000e+00 : f32
      %parallel_loop3A_116 = vector.broadcast %parallel_loop3A_115 : f32 to vector<16xf32>
      %parallel_loop3A_117 = arith.subf %parallel_loop3A_116, %parallel_loop3A_101 : vector<16xf32>
      %parallel_loop3A_118 = arith.constant 0 : i32
      %parallel_loop3A_119 = arith.index_cast %parallel_loop3A_64 : i32 to index
      %parallel_loop3A_120 = arith.index_cast %parallel_loop3A_118 : i32 to index
      %parallel_loop3A_121 = arith.constant 0 : index
      %parallel_loop3A_122 = tpu.vector_load %arg9[%parallel_loop3A_119, %parallel_loop3A_120, %parallel_loop3A_121] {strides = array<i32>} : memref<79x2x128xf32, #tpu.memory_space<vmem>>, vector<16xf32>,
      tpu.vector_store %arg9[%parallel_loop3A_119, %parallel_loop3A_120, %parallel_loop3A_121], %parallel_loop3A_117 {strides = array<i32>} : memref<79x2x128xf32, #tpu.memory_space<vmem>>, vector<16xf32>,
      %parallel_loop3A_123 = arith.constant 1 : i32
      %parallel_loop3A_124 = arith.index_cast %parallel_loop3A_64 : i32 to index
      %parallel_loop3A_125 = arith.index_cast %parallel_loop3A_123 : i32 to index
      %parallel_loop3A_126 = arith.constant 0 : index
      %parallel_loop3A_127 = tpu.vector_load %arg9[%parallel_loop3A_124, %parallel_loop3A_125, %parallel_loop3A_126] {strides = array<i32>} : memref<79x2x128xf32, #tpu.memory_space<vmem>>, vector<16xf32>,
      tpu.vector_store %arg9[%parallel_loop3A_124, %parallel_loop3A_125, %parallel_loop3A_126], %parallel_loop3A_101 {strides = array<i32>} : memref<79x2x128xf32, #tpu.memory_space<vmem>>, vector<16xf32>,
      %parallel_loop3A_128 = arith.constant 16 : i32
      %parallel_loop3A_129 = arith.addi %parallel_loop3A_66, %parallel_loop3A_128 : i32
      %parallel_loop3A_130 = arith.index_cast %parallel_loop3A_129 : i32 to index
      %parallel_loop3A_131 = tpu.vector_load %arg6[%parallel_loop3A_130] {strides = array<i32>} : memref<10112xi32, #tpu.memory_space<vmem>>, vector<16xi32>,
      %parallel_loop3A_132 = arith.constant 16 : i32
      %parallel_loop3A_133 = arith.addi %parallel_loop3A_66, %parallel_loop3A_132 : i32
      %parallel_loop3A_134 = arith.index_cast %parallel_loop3A_133 : i32 to index
      %parallel_loop3A_135 = tpu.vector_load %arg7[%parallel_loop3A_134] {strides = array<i32>} : memref<10112xi32, #tpu.memory_space<vmem>>, vector<16xi32>,
      %parallel_loop3A_136 = tpu.vector_load_idx %arg5[%parallel_loop3A_131] : memref<40000xf32, #tpu.memory_space<vmem>>[vector<16xi32>], vector<16xf32>,
      %parallel_loop3A_137 = arith.constant 10000 : i32
      %parallel_loop3A_138 = vector.broadcast %parallel_loop3A_137 : i32 to vector<16xi32>
      %parallel_loop3A_139 = arith.addi %parallel_loop3A_135, %parallel_loop3A_138 : vector<16xi32>
      %parallel_loop3A_140 = tpu.vector_load_idx %arg5[%parallel_loop3A_139] : memref<40000xf32, #tpu.memory_space<vmem>>[vector<16xi32>], vector<16xf32>,
      %parallel_loop3A_141 = arith.mulf %parallel_loop3A_136, %parallel_loop3A_140 : vector<16xf32>
      %parallel_loop3A_142 = arith.constant 20000 : i32
      %parallel_loop3A_143 = vector.broadcast %parallel_loop3A_142 : i32 to vector<16xi32>
      %parallel_loop3A_144 = arith.addi %parallel_loop3A_131, %parallel_loop3A_143 : vector<16xi32>
      %parallel_loop3A_145 = tpu.vector_load_idx %arg5[%parallel_loop3A_144] : memref<40000xf32, #tpu.memory_space<vmem>>[vector<16xi32>], vector<16xf32>,
      %parallel_loop3A_146 = arith.constant 30000 : i32
      %parallel_loop3A_147 = vector.broadcast %parallel_loop3A_146 : i32 to vector<16xi32>
      %parallel_loop3A_148 = arith.addi %parallel_loop3A_135, %parallel_loop3A_147 : vector<16xi32>
      %parallel_loop3A_149 = tpu.vector_load_idx %arg5[%parallel_loop3A_148] : memref<40000xf32, #tpu.memory_space<vmem>>[vector<16xi32>], vector<16xf32>,
      %parallel_loop3A_150 = arith.mulf %parallel_loop3A_145, %parallel_loop3A_149 : vector<16xf32>
      %parallel_loop3A_151 = arith.constant 1.000000e+00 : f32
      %parallel_loop3A_152 = vector.broadcast %parallel_loop3A_151 : f32 to vector<16xf32>
      %parallel_loop3A_153 = arith.addf %parallel_loop3A_152, %parallel_loop3A_141 : vector<16xf32>
      %parallel_loop3A_154 = arith.constant 1.000000e+00 : f32
      %parallel_loop3A_155 = vector.broadcast %parallel_loop3A_154 : f32 to vector<16xf32>
      %parallel_loop3A_156 = arith.divf %parallel_loop3A_155, %parallel_loop3A_153 : vector<16xf32>
      %parallel_loop3A_157 = arith.constant 1.000000e+00 : f32
      %parallel_loop3A_158 = vector.broadcast %parallel_loop3A_157 : f32 to vector<16xf32>
      %parallel_loop3A_159 = arith.addf %parallel_loop3A_158, %parallel_loop3A_150 : vector<16xf32>
      %parallel_loop3A_160 = arith.constant 1.000000e+00 : f32
      %parallel_loop3A_161 = vector.broadcast %parallel_loop3A_160 : f32 to vector<16xf32>
      %parallel_loop3A_162 = arith.divf %parallel_loop3A_161, %parallel_loop3A_159 : vector<16xf32>
      %parallel_loop3A_163 = arith.constant 0 : i32
      %parallel_loop3A_164 = arith.index_cast %parallel_loop3A_64 : i32 to index
      %parallel_loop3A_165 = arith.index_cast %parallel_loop3A_163 : i32 to index
      %parallel_loop3A_166 = arith.constant 16 : index
      %parallel_loop3A_167 = tpu.vector_load %arg8[%parallel_loop3A_164, %parallel_loop3A_165, %parallel_loop3A_166] {strides = array<i32>} : memref<79x2x128xf32, #tpu.memory_space<vmem>>, vector<16xf32>,
      tpu.vector_store %arg8[%parallel_loop3A_164, %parallel_loop3A_165, %parallel_loop3A_166], %parallel_loop3A_156 {strides = array<i32>} : memref<79x2x128xf32, #tpu.memory_space<vmem>>, vector<16xf32>,
      %parallel_loop3A_168 = arith.constant 0.000000e+00 : f32
      %parallel_loop3A_169 = vector.broadcast %parallel_loop3A_168 : f32 to vector<16xf32>
      %parallel_loop3A_170 = arith.subf %parallel_loop3A_169, %parallel_loop3A_156 : vector<16xf32>
      %parallel_loop3A_171 = arith.constant 1 : i32
      %parallel_loop3A_172 = arith.index_cast %parallel_loop3A_64 : i32 to index
      %parallel_loop3A_173 = arith.index_cast %parallel_loop3A_171 : i32 to index
      %parallel_loop3A_174 = arith.constant 16 : index
      %parallel_loop3A_175 = tpu.vector_load %arg8[%parallel_loop3A_172, %parallel_loop3A_173, %parallel_loop3A_174] {strides = array<i32>} : memref<79x2x128xf32, #tpu.memory_space<vmem>>, vector<16xf32>,
      tpu.vector_store %arg8[%parallel_loop3A_172, %parallel_loop3A_173, %parallel_loop3A_174], %parallel_loop3A_170 {strides = array<i32>} : memref<79x2x128xf32, #tpu.memory_space<vmem>>, vector<16xf32>,
      %parallel_loop3A_176 = arith.constant 0.000000e+00 : f32
      %parallel_loop3A_177 = vector.broadcast %parallel_loop3A_176 : f32 to vector<16xf32>
      %parallel_loop3A_178 = arith.subf %parallel_loop3A_177, %parallel_loop3A_162 : vector<16xf32>
      %parallel_loop3A_179 = arith.constant 0 : i32
      %parallel_loop3A_180 = arith.index_cast %parallel_loop3A_64 : i32 to index
      %parallel_loop3A_181 = arith.index_cast %parallel_loop3A_179 : i32 to index
      %parallel_loop3A_182 = arith.constant 16 : index
      %parallel_loop3A_183 = tpu.vector_load %arg9[%parallel_loop3A_180, %parallel_loop3A_181, %parallel_loop3A_182] {strides = array<i32>} : memref<79x2x128xf32, #tpu.memory_space<vmem>>, vector<16xf32>,
      tpu.vector_store %arg9[%parallel_loop3A_180, %parallel_loop3A_181, %parallel_loop3A_182], %parallel_loop3A_178 {strides = array<i32>} : memref<79x2x128xf32, #tpu.memory_space<vmem>>, vector<16xf32>,
      %parallel_loop3A_184 = arith.constant 1 : i32
      %parallel_loop3A_185 = arith.index_cast %parallel_loop3A_64 : i32 to index
      %parallel_loop3A_186 = arith.index_cast %parallel_loop3A_184 : i32 to index
      %parallel_loop3A_187 = arith.constant 16 : index
      %parallel_loop3A_188 = tpu.vector_load %arg9[%parallel_loop3A_185, %parallel_loop3A_186, %parallel_loop3A_187] {strides = array<i32>} : memref<79x2x128xf32, #tpu.memory_space<vmem>>, vector<16xf32>,
      tpu.vector_store %arg9[%parallel_loop3A_185, %parallel_loop3A_186, %parallel_loop3A_187], %parallel_loop3A_162 {strides = array<i32>} : memref<79x2x128xf32, #tpu.memory_space<vmem>>, vector<16xf32>,
      %parallel_loop3A_189 = arith.constant 32 : i32
      %parallel_loop3A_190 = arith.addi %parallel_loop3A_66, %parallel_loop3A_189 : i32
      %parallel_loop3A_191 = arith.index_cast %parallel_loop3A_190 : i32 to index
      %parallel_loop3A_192 = tpu.vector_load %arg6[%parallel_loop3A_191] {strides = array<i32>} : memref<10112xi32, #tpu.memory_space<vmem>>, vector<16xi32>,
      %parallel_loop3A_193 = arith.constant 32 : i32
      %parallel_loop3A_194 = arith.addi %parallel_loop3A_66, %parallel_loop3A_193 : i32
      %parallel_loop3A_195 = arith.index_cast %parallel_loop3A_194 : i32 to index
      %parallel_loop3A_196 = tpu.vector_load %arg7[%parallel_loop3A_195] {strides = array<i32>} : memref<10112xi32, #tpu.memory_space<vmem>>, vector<16xi32>,
      %parallel_loop3A_197 = tpu.vector_load_idx %arg5[%parallel_loop3A_192] : memref<40000xf32, #tpu.memory_space<vmem>>[vector<16xi32>], vector<16xf32>,
      %parallel_loop3A_198 = arith.constant 10000 : i32
      %parallel_loop3A_199 = vector.broadcast %parallel_loop3A_198 : i32 to vector<16xi32>
      %parallel_loop3A_200 = arith.addi %parallel_loop3A_196, %parallel_loop3A_199 : vector<16xi32>
      %parallel_loop3A_201 = tpu.vector_load_idx %arg5[%parallel_loop3A_200] : memref<40000xf32, #tpu.memory_space<vmem>>[vector<16xi32>], vector<16xf32>,
      %parallel_loop3A_202 = arith.mulf %parallel_loop3A_197, %parallel_loop3A_201 : vector<16xf32>
      %parallel_loop3A_203 = arith.constant 20000 : i32
      %parallel_loop3A_204 = vector.broadcast %parallel_loop3A_203 : i32 to vector<16xi32>
      %parallel_loop3A_205 = arith.addi %parallel_loop3A_192, %parallel_loop3A_204 : vector<16xi32>
      %parallel_loop3A_206 = tpu.vector_load_idx %arg5[%parallel_loop3A_205] : memref<40000xf32, #tpu.memory_space<vmem>>[vector<16xi32>], vector<16xf32>,
      %parallel_loop3A_207 = arith.constant 30000 : i32
      %parallel_loop3A_208 = vector.broadcast %parallel_loop3A_207 : i32 to vector<16xi32>
      %parallel_loop3A_209 = arith.addi %parallel_loop3A_196, %parallel_loop3A_208 : vector<16xi32>
      %parallel_loop3A_210 = tpu.vector_load_idx %arg5[%parallel_loop3A_209] : memref<40000xf32, #tpu.memory_space<vmem>>[vector<16xi32>], vector<16xf32>,
      %parallel_loop3A_211 = arith.mulf %parallel_loop3A_206, %parallel_loop3A_210 : vector<16xf32>
      %parallel_loop3A_212 = arith.constant 1.000000e+00 : f32
      %parallel_loop3A_213 = vector.broadcast %parallel_loop3A_212 : f32 to vector<16xf32>
      %parallel_loop3A_214 = arith.addf %parallel_loop3A_213, %parallel_loop3A_202 : vector<16xf32>
      %parallel_loop3A_215 = arith.constant 1.000000e+00 : f32
      %parallel_loop3A_216 = vector.broadcast %parallel_loop3A_215 : f32 to vector<16xf32>
      %parallel_loop3A_217 = arith.divf %parallel_loop3A_216, %parallel_loop3A_214 : vector<16xf32>
      %parallel_loop3A_218 = arith.constant 1.000000e+00 : f32
      %parallel_loop3A_219 = vector.broadcast %parallel_loop3A_218 : f32 to vector<16xf32>
      %parallel_loop3A_220 = arith.addf %parallel_loop3A_219, %parallel_loop3A_211 : vector<16xf32>
      %parallel_loop3A_221 = arith.constant 1.000000e+00 : f32
      %parallel_loop3A_222 = vector.broadcast %parallel_loop3A_221 : f32 to vector<16xf32>
      %parallel_loop3A_223 = arith.divf %parallel_loop3A_222, %parallel_loop3A_220 : vector<16xf32>
      %parallel_loop3A_224 = arith.constant 0 : i32
      %parallel_loop3A_225 = arith.index_cast %parallel_loop3A_64 : i32 to index
      %parallel_loop3A_226 = arith.index_cast %parallel_loop3A_224 : i32 to index
      %parallel_loop3A_227 = arith.constant 32 : index
      %parallel_loop3A_228 = tpu.vector_load %arg8[%parallel_loop3A_225, %parallel_loop3A_226, %parallel_loop3A_227] {strides = array<i32>} : memref<79x2x128xf32, #tpu.memory_space<vmem>>, vector<16xf32>,
      tpu.vector_store %arg8[%parallel_loop3A_225, %parallel_loop3A_226, %parallel_loop3A_227], %parallel_loop3A_217 {strides = array<i32>} : memref<79x2x128xf32, #tpu.memory_space<vmem>>, vector<16xf32>,
      %parallel_loop3A_229 = arith.constant 0.000000e+00 : f32
      %parallel_loop3A_230 = vector.broadcast %parallel_loop3A_229 : f32 to vector<16xf32>
      %parallel_loop3A_231 = arith.subf %parallel_loop3A_230, %parallel_loop3A_217 : vector<16xf32>
      %parallel_loop3A_232 = arith.constant 1 : i32
      %parallel_loop3A_233 = arith.index_cast %parallel_loop3A_64 : i32 to index
      %parallel_loop3A_234 = arith.index_cast %parallel_loop3A_232 : i32 to index
      %parallel_loop3A_235 = arith.constant 32 : index
      %parallel_loop3A_236 = tpu.vector_load %arg8[%parallel_loop3A_233, %parallel_loop3A_234, %parallel_loop3A_235] {strides = array<i32>} : memref<79x2x128xf32, #tpu.memory_space<vmem>>, vector<16xf32>,
      tpu.vector_store %arg8[%parallel_loop3A_233, %parallel_loop3A_234, %parallel_loop3A_235], %parallel_loop3A_231 {strides = array<i32>} : memref<79x2x128xf32, #tpu.memory_space<vmem>>, vector<16xf32>,
      %parallel_loop3A_237 = arith.constant 0.000000e+00 : f32
      %parallel_loop3A_238 = vector.broadcast %parallel_loop3A_237 : f32 to vector<16xf32>
      %parallel_loop3A_239 = arith.subf %parallel_loop3A_238, %parallel_loop3A_223 : vector<16xf32>
      %parallel_loop3A_240 = arith.constant 0 : i32
      %parallel_loop3A_241 = arith.index_cast %parallel_loop3A_64 : i32 to index
      %parallel_loop3A_242 = arith.index_cast %parallel_loop3A_240 : i32 to index
      %parallel_loop3A_243 = arith.constant 32 : index
      %parallel_loop3A_244 = tpu.vector_load %arg9[%parallel_loop3A_241, %parallel_loop3A_242, %parallel_loop3A_243] {strides = array<i32>} : memref<79x2x128xf32, #tpu.memory_space<vmem>>, vector<16xf32>,
      tpu.vector_store %arg9[%parallel_loop3A_241, %parallel_loop3A_242, %parallel_loop3A_243], %parallel_loop3A_239 {strides = array<i32>} : memref<79x2x128xf32, #tpu.memory_space<vmem>>, vector<16xf32>,
      %parallel_loop3A_245 = arith.constant 1 : i32
      %parallel_loop3A_246 = arith.index_cast %parallel_loop3A_64 : i32 to index
      %parallel_loop3A_247 = arith.index_cast %parallel_loop3A_245 : i32 to index
      %parallel_loop3A_248 = arith.constant 32 : index
      %parallel_loop3A_249 = tpu.vector_load %arg9[%parallel_loop3A_246, %parallel_loop3A_247, %parallel_loop3A_248] {strides = array<i32>} : memref<79x2x128xf32, #tpu.memory_space<vmem>>, vector<16xf32>,
      tpu.vector_store %arg9[%parallel_loop3A_246, %parallel_loop3A_247, %parallel_loop3A_248], %parallel_loop3A_223 {strides = array<i32>} : memref<79x2x128xf32, #tpu.memory_space<vmem>>, vector<16xf32>,
      %parallel_loop3A_250 = arith.constant 48 : i32
      %parallel_loop3A_251 = arith.addi %parallel_loop3A_66, %parallel_loop3A_250 : i32
      %parallel_loop3A_252 = arith.index_cast %parallel_loop3A_251 : i32 to index
      %parallel_loop3A_253 = tpu.vector_load %arg6[%parallel_loop3A_252] {strides = array<i32>} : memref<10112xi32, #tpu.memory_space<vmem>>, vector<16xi32>,
      %parallel_loop3A_254 = arith.constant 48 : i32
      %parallel_loop3A_255 = arith.addi %parallel_loop3A_66, %parallel_loop3A_254 : i32
      %parallel_loop3A_256 = arith.index_cast %parallel_loop3A_255 : i32 to index
      %parallel_loop3A_257 = tpu.vector_load %arg7[%parallel_loop3A_256] {strides = array<i32>} : memref<10112xi32, #tpu.memory_space<vmem>>, vector<16xi32>,
      %parallel_loop3A_258 = tpu.vector_load_idx %arg5[%parallel_loop3A_253] : memref<40000xf32, #tpu.memory_space<vmem>>[vector<16xi32>], vector<16xf32>,
      %parallel_loop3A_259 = arith.constant 10000 : i32
      %parallel_loop3A_260 = vector.broadcast %parallel_loop3A_259 : i32 to vector<16xi32>
      %parallel_loop3A_261 = arith.addi %parallel_loop3A_257, %parallel_loop3A_260 : vector<16xi32>
      %parallel_loop3A_262 = tpu.vector_load_idx %arg5[%parallel_loop3A_261] : memref<40000xf32, #tpu.memory_space<vmem>>[vector<16xi32>], vector<16xf32>,
      %parallel_loop3A_263 = arith.mulf %parallel_loop3A_258, %parallel_loop3A_262 : vector<16xf32>
      %parallel_loop3A_264 = arith.constant 20000 : i32
      %parallel_loop3A_265 = vector.broadcast %parallel_loop3A_264 : i32 to vector<16xi32>
      %parallel_loop3A_266 = arith.addi %parallel_loop3A_253, %parallel_loop3A_265 : vector<16xi32>
      %parallel_loop3A_267 = tpu.vector_load_idx %arg5[%parallel_loop3A_266] : memref<40000xf32, #tpu.memory_space<vmem>>[vector<16xi32>], vector<16xf32>,
      %parallel_loop3A_268 = arith.constant 30000 : i32
      %parallel_loop3A_269 = vector.broadcast %parallel_loop3A_268 : i32 to vector<16xi32>
      %parallel_loop3A_270 = arith.addi %parallel_loop3A_257, %parallel_loop3A_269 : vector<16xi32>
      %parallel_loop3A_271 = tpu.vector_load_idx %arg5[%parallel_loop3A_270] : memref<40000xf32, #tpu.memory_space<vmem>>[vector<16xi32>], vector<16xf32>,
      %parallel_loop3A_272 = arith.mulf %parallel_loop3A_267, %parallel_loop3A_271 : vector<16xf32>
      %parallel_loop3A_273 = arith.constant 1.000000e+00 : f32
      %parallel_loop3A_274 = vector.broadcast %parallel_loop3A_273 : f32 to vector<16xf32>
      %parallel_loop3A_275 = arith.addf %parallel_loop3A_274, %parallel_loop3A_263 : vector<16xf32>
      %parallel_loop3A_276 = arith.constant 1.000000e+00 : f32
      %parallel_loop3A_277 = vector.broadcast %parallel_loop3A_276 : f32 to vector<16xf32>
      %parallel_loop3A_278 = arith.divf %parallel_loop3A_277, %parallel_loop3A_275 : vector<16xf32>
      %parallel_loop3A_279 = arith.constant 1.000000e+00 : f32
      %parallel_loop3A_280 = vector.broadcast %parallel_loop3A_279 : f32 to vector<16xf32>
      %parallel_loop3A_281 = arith.addf %parallel_loop3A_280, %parallel_loop3A_272 : vector<16xf32>
      %parallel_loop3A_282 = arith.constant 1.000000e+00 : f32
      %parallel_loop3A_283 = vector.broadcast %parallel_loop3A_282 : f32 to vector<16xf32>
      %parallel_loop3A_284 = arith.divf %parallel_loop3A_283, %parallel_loop3A_281 : vector<16xf32>
      %parallel_loop3A_285 = arith.constant 0 : i32
      %parallel_loop3A_286 = arith.index_cast %parallel_loop3A_64 : i32 to index
      %parallel_loop3A_287 = arith.index_cast %parallel_loop3A_285 : i32 to index
      %parallel_loop3A_288 = arith.constant 48 : index
      %parallel_loop3A_289 = tpu.vector_load %arg8[%parallel_loop3A_286, %parallel_loop3A_287, %parallel_loop3A_288] {strides = array<i32>} : memref<79x2x128xf32, #tpu.memory_space<vmem>>, vector<16xf32>,
      tpu.vector_store %arg8[%parallel_loop3A_286, %parallel_loop3A_287, %parallel_loop3A_288], %parallel_loop3A_278 {strides = array<i32>} : memref<79x2x128xf32, #tpu.memory_space<vmem>>, vector<16xf32>,
      %parallel_loop3A_290 = arith.constant 0.000000e+00 : f32
      %parallel_loop3A_291 = vector.broadcast %parallel_loop3A_290 : f32 to vector<16xf32>
      %parallel_loop3A_292 = arith.subf %parallel_loop3A_291, %parallel_loop3A_278 : vector<16xf32>
      %parallel_loop3A_293 = arith.constant 1 : i32
      %parallel_loop3A_294 = arith.index_cast %parallel_loop3A_64 : i32 to index
      %parallel_loop3A_295 = arith.index_cast %parallel_loop3A_293 : i32 to index
      %parallel_loop3A_296 = arith.constant 48 : index
      %parallel_loop3A_297 = tpu.vector_load %arg8[%parallel_loop3A_294, %parallel_loop3A_295, %parallel_loop3A_296] {strides = array<i32>} : memref<79x2x128xf32, #tpu.memory_space<vmem>>, vector<16xf32>,
      tpu.vector_store %arg8[%parallel_loop3A_294, %parallel_loop3A_295, %parallel_loop3A_296], %parallel_loop3A_292 {strides = array<i32>} : memref<79x2x128xf32, #tpu.memory_space<vmem>>, vector<16xf32>,
      %parallel_loop3A_298 = arith.constant 0.000000e+00 : f32
      %parallel_loop3A_299 = vector.broadcast %parallel_loop3A_298 : f32 to vector<16xf32>
      %parallel_loop3A_300 = arith.subf %parallel_loop3A_299, %parallel_loop3A_284 : vector<16xf32>
      %parallel_loop3A_301 = arith.constant 0 : i32
      %parallel_loop3A_302 = arith.index_cast %parallel_loop3A_64 : i32 to index
      %parallel_loop3A_303 = arith.index_cast %parallel_loop3A_301 : i32 to index
      %parallel_loop3A_304 = arith.constant 48 : index
      %parallel_loop3A_305 = tpu.vector_load %arg9[%parallel_loop3A_302, %parallel_loop3A_303, %parallel_loop3A_304] {strides = array<i32>} : memref<79x2x128xf32, #tpu.memory_space<vmem>>, vector<16xf32>,
      tpu.vector_store %arg9[%parallel_loop3A_302, %parallel_loop3A_303, %parallel_loop3A_304], %parallel_loop3A_300 {strides = array<i32>} : memref<79x2x128xf32, #tpu.memory_space<vmem>>, vector<16xf32>,
      %parallel_loop3A_306 = arith.constant 1 : i32
      %parallel_loop3A_307 = arith.index_cast %parallel_loop3A_64 : i32 to index
      %parallel_loop3A_308 = arith.index_cast %parallel_loop3A_306 : i32 to index
      %parallel_loop3A_309 = arith.constant 48 : index
      %parallel_loop3A_310 = tpu.vector_load %arg9[%parallel_loop3A_307, %parallel_loop3A_308, %parallel_loop3A_309] {strides = array<i32>} : memref<79x2x128xf32, #tpu.memory_space<vmem>>, vector<16xf32>,
      tpu.vector_store %arg9[%parallel_loop3A_307, %parallel_loop3A_308, %parallel_loop3A_309], %parallel_loop3A_284 {strides = array<i32>} : memref<79x2x128xf32, #tpu.memory_space<vmem>>, vector<16xf32>,
      %parallel_loop3A_311 = arith.constant 64 : i32
      %parallel_loop3A_312 = arith.addi %parallel_loop3A_66, %parallel_loop3A_311 : i32
      %parallel_loop3A_313 = arith.index_cast %parallel_loop3A_312 : i32 to index
      %parallel_loop3A_314 = tpu.vector_load %arg6[%parallel_loop3A_313] {strides = array<i32>} : memref<10112xi32, #tpu.memory_space<vmem>>, vector<16xi32>,
      %parallel_loop3A_315 = arith.constant 64 : i32
      %parallel_loop3A_316 = arith.addi %parallel_loop3A_66, %parallel_loop3A_315 : i32
      %parallel_loop3A_317 = arith.index_cast %parallel_loop3A_316 : i32 to index
      %parallel_loop3A_318 = tpu.vector_load %arg7[%parallel_loop3A_317] {strides = array<i32>} : memref<10112xi32, #tpu.memory_space<vmem>>, vector<16xi32>,
      %parallel_loop3A_319 = tpu.vector_load_idx %arg5[%parallel_loop3A_314] : memref<40000xf32, #tpu.memory_space<vmem>>[vector<16xi32>], vector<16xf32>,
      %parallel_loop3A_320 = arith.constant 10000 : i32
      %parallel_loop3A_321 = vector.broadcast %parallel_loop3A_320 : i32 to vector<16xi32>
      %parallel_loop3A_322 = arith.addi %parallel_loop3A_318, %parallel_loop3A_321 : vector<16xi32>
      %parallel_loop3A_323 = tpu.vector_load_idx %arg5[%parallel_loop3A_322] : memref<40000xf32, #tpu.memory_space<vmem>>[vector<16xi32>], vector<16xf32>,
      %parallel_loop3A_324 = arith.mulf %parallel_loop3A_319, %parallel_loop3A_323 : vector<16xf32>
      %parallel_loop3A_325 = arith.constant 20000 : i32
      %parallel_loop3A_326 = vector.broadcast %parallel_loop3A_325 : i32 to vector<16xi32>
      %parallel_loop3A_327 = arith.addi %parallel_loop3A_314, %parallel_loop3A_326 : vector<16xi32>
      %parallel_loop3A_328 = tpu.vector_load_idx %arg5[%parallel_loop3A_327] : memref<40000xf32, #tpu.memory_space<vmem>>[vector<16xi32>], vector<16xf32>,
      %parallel_loop3A_329 = arith.constant 30000 : i32
      %parallel_loop3A_330 = vector.broadcast %parallel_loop3A_329 : i32 to vector<16xi32>
      %parallel_loop3A_331 = arith.addi %parallel_loop3A_318, %parallel_loop3A_330 : vector<16xi32>
      %parallel_loop3A_332 = tpu.vector_load_idx %arg5[%parallel_loop3A_331] : memref<40000xf32, #tpu.memory_space<vmem>>[vector<16xi32>], vector<16xf32>,
      %parallel_loop3A_333 = arith.mulf %parallel_loop3A_328, %parallel_loop3A_332 : vector<16xf32>
      %parallel_loop3A_334 = arith.constant 1.000000e+00 : f32
      %parallel_loop3A_335 = vector.broadcast %parallel_loop3A_334 : f32 to vector<16xf32>
      %parallel_loop3A_336 = arith.addf %parallel_loop3A_335, %parallel_loop3A_324 : vector<16xf32>
      %parallel_loop3A_337 = arith.constant 1.000000e+00 : f32
      %parallel_loop3A_338 = vector.broadcast %parallel_loop3A_337 : f32 to vector<16xf32>
      %parallel_loop3A_339 = arith.divf %parallel_loop3A_338, %parallel_loop3A_336 : vector<16xf32>
      %parallel_loop3A_340 = arith.constant 1.000000e+00 : f32
      %parallel_loop3A_341 = vector.broadcast %parallel_loop3A_340 : f32 to vector<16xf32>
      %parallel_loop3A_342 = arith.addf %parallel_loop3A_341, %parallel_loop3A_333 : vector<16xf32>
      %parallel_loop3A_343 = arith.constant 1.000000e+00 : f32
      %parallel_loop3A_344 = vector.broadcast %parallel_loop3A_343 : f32 to vector<16xf32>
      %parallel_loop3A_345 = arith.divf %parallel_loop3A_344, %parallel_loop3A_342 : vector<16xf32>
      %parallel_loop3A_346 = arith.constant 0 : i32
      %parallel_loop3A_347 = arith.index_cast %parallel_loop3A_64 : i32 to index
      %parallel_loop3A_348 = arith.index_cast %parallel_loop3A_346 : i32 to index
      %parallel_loop3A_349 = arith.constant 64 : index
      %parallel_loop3A_350 = tpu.vector_load %arg8[%parallel_loop3A_347, %parallel_loop3A_348, %parallel_loop3A_349] {strides = array<i32>} : memref<79x2x128xf32, #tpu.memory_space<vmem>>, vector<16xf32>,
      tpu.vector_store %arg8[%parallel_loop3A_347, %parallel_loop3A_348, %parallel_loop3A_349], %parallel_loop3A_339 {strides = array<i32>} : memref<79x2x128xf32, #tpu.memory_space<vmem>>, vector<16xf32>,
      %parallel_loop3A_351 = arith.constant 0.000000e+00 : f32
      %parallel_loop3A_352 = vector.broadcast %parallel_loop3A_351 : f32 to vector<16xf32>
      %parallel_loop3A_353 = arith.subf %parallel_loop3A_352, %parallel_loop3A_339 : vector<16xf32>
      %parallel_loop3A_354 = arith.constant 1 : i32
      %parallel_loop3A_355 = arith.index_cast %parallel_loop3A_64 : i32 to index
      %parallel_loop3A_356 = arith.index_cast %parallel_loop3A_354 : i32 to index
      %parallel_loop3A_357 = arith.constant 64 : index
      %parallel_loop3A_358 = tpu.vector_load %arg8[%parallel_loop3A_355, %parallel_loop3A_356, %parallel_loop3A_357] {strides = array<i32>} : memref<79x2x128xf32, #tpu.memory_space<vmem>>, vector<16xf32>,
      tpu.vector_store %arg8[%parallel_loop3A_355, %parallel_loop3A_356, %parallel_loop3A_357], %parallel_loop3A_353 {strides = array<i32>} : memref<79x2x128xf32, #tpu.memory_space<vmem>>, vector<16xf32>,
      %parallel_loop3A_359 = arith.constant 0.000000e+00 : f32
      %parallel_loop3A_360 = vector.broadcast %parallel_loop3A_359 : f32 to vector<16xf32>
      %parallel_loop3A_361 = arith.subf %parallel_loop3A_360, %parallel_loop3A_345 : vector<16xf32>
      %parallel_loop3A_362 = arith.constant 0 : i32
      %parallel_loop3A_363 = arith.index_cast %parallel_loop3A_64 : i32 to index
      %parallel_loop3A_364 = arith.index_cast %parallel_loop3A_362 : i32 to index
      %parallel_loop3A_365 = arith.constant 64 : index
      %parallel_loop3A_366 = tpu.vector_load %arg9[%parallel_loop3A_363, %parallel_loop3A_364, %parallel_loop3A_365] {strides = array<i32>} : memref<79x2x128xf32, #tpu.memory_space<vmem>>, vector<16xf32>,
      tpu.vector_store %arg9[%parallel_loop3A_363, %parallel_loop3A_364, %parallel_loop3A_365], %parallel_loop3A_361 {strides = array<i32>} : memref<79x2x128xf32, #tpu.memory_space<vmem>>, vector<16xf32>,
      %parallel_loop3A_367 = arith.constant 1 : i32
      %parallel_loop3A_368 = arith.index_cast %parallel_loop3A_64 : i32 to index
      %parallel_loop3A_369 = arith.index_cast %parallel_loop3A_367 : i32 to index
      %parallel_loop3A_370 = arith.constant 64 : index
      %parallel_loop3A_371 = tpu.vector_load %arg9[%parallel_loop3A_368, %parallel_loop3A_369, %parallel_loop3A_370] {strides = array<i32>} : memref<79x2x128xf32, #tpu.memory_space<vmem>>, vector<16xf32>,
      tpu.vector_store %arg9[%parallel_loop3A_368, %parallel_loop3A_369, %parallel_loop3A_370], %parallel_loop3A_345 {strides = array<i32>} : memref<79x2x128xf32, #tpu.memory_space<vmem>>, vector<16xf32>,
      %parallel_loop3A_372 = arith.constant 80 : i32
      %parallel_loop3A_373 = arith.addi %parallel_loop3A_66, %parallel_loop3A_372 : i32
      %parallel_loop3A_374 = arith.index_cast %parallel_loop3A_373 : i32 to index
      %parallel_loop3A_375 = tpu.vector_load %arg6[%parallel_loop3A_374] {strides = array<i32>} : memref<10112xi32, #tpu.memory_space<vmem>>, vector<16xi32>,
      %parallel_loop3A_376 = arith.constant 80 : i32
      %parallel_loop3A_377 = arith.addi %parallel_loop3A_66, %parallel_loop3A_376 : i32
      %parallel_loop3A_378 = arith.index_cast %parallel_loop3A_377 : i32 to index
      %parallel_loop3A_379 = tpu.vector_load %arg7[%parallel_loop3A_378] {strides = array<i32>} : memref<10112xi32, #tpu.memory_space<vmem>>, vector<16xi32>,
      %parallel_loop3A_380 = tpu.vector_load_idx %arg5[%parallel_loop3A_375] : memref<40000xf32, #tpu.memory_space<vmem>>[vector<16xi32>], vector<16xf32>,
      %parallel_loop3A_381 = arith.constant 10000 : i32
      %parallel_loop3A_382 = vector.broadcast %parallel_loop3A_381 : i32 to vector<16xi32>
      %parallel_loop3A_383 = arith.addi %parallel_loop3A_379, %parallel_loop3A_382 : vector<16xi32>
      %parallel_loop3A_384 = tpu.vector_load_idx %arg5[%parallel_loop3A_383] : memref<40000xf32, #tpu.memory_space<vmem>>[vector<16xi32>], vector<16xf32>,
      %parallel_loop3A_385 = arith.mulf %parallel_loop3A_380, %parallel_loop3A_384 : vector<16xf32>
      %parallel_loop3A_386 = arith.constant 20000 : i32
      %parallel_loop3A_387 = vector.broadcast %parallel_loop3A_386 : i32 to vector<16xi32>
      %parallel_loop3A_388 = arith.addi %parallel_loop3A_375, %parallel_loop3A_387 : vector<16xi32>
      %parallel_loop3A_389 = tpu.vector_load_idx %arg5[%parallel_loop3A_388] : memref<40000xf32, #tpu.memory_space<vmem>>[vector<16xi32>], vector<16xf32>,
      %parallel_loop3A_390 = arith.constant 30000 : i32
      %parallel_loop3A_391 = vector.broadcast %parallel_loop3A_390 : i32 to vector<16xi32>
      %parallel_loop3A_392 = arith.addi %parallel_loop3A_379, %parallel_loop3A_391 : vector<16xi32>
      %parallel_loop3A_393 = tpu.vector_load_idx %arg5[%parallel_loop3A_392] : memref<40000xf32, #tpu.memory_space<vmem>>[vector<16xi32>], vector<16xf32>,
      %parallel_loop3A_394 = arith.mulf %parallel_loop3A_389, %parallel_loop3A_393 : vector<16xf32>
      %parallel_loop3A_395 = arith.constant 1.000000e+00 : f32
      %parallel_loop3A_396 = vector.broadcast %parallel_loop3A_395 : f32 to vector<16xf32>
      %parallel_loop3A_397 = arith.addf %parallel_loop3A_396, %parallel_loop3A_385 : vector<16xf32>
      %parallel_loop3A_398 = arith.constant 1.000000e+00 : f32
      %parallel_loop3A_399 = vector.broadcast %parallel_loop3A_398 : f32 to vector<16xf32>
      %parallel_loop3A_400 = arith.divf %parallel_loop3A_399, %parallel_loop3A_397 : vector<16xf32>
      %parallel_loop3A_401 = arith.constant 1.000000e+00 : f32
      %parallel_loop3A_402 = vector.broadcast %parallel_loop3A_401 : f32 to vector<16xf32>
      %parallel_loop3A_403 = arith.addf %parallel_loop3A_402, %parallel_loop3A_394 : vector<16xf32>
      %parallel_loop3A_404 = arith.constant 1.000000e+00 : f32
      %parallel_loop3A_405 = vector.broadcast %parallel_loop3A_404 : f32 to vector<16xf32>
      %parallel_loop3A_406 = arith.divf %parallel_loop3A_405, %parallel_loop3A_403 : vector<16xf32>
      %parallel_loop3A_407 = arith.constant 0 : i32
      %parallel_loop3A_408 = arith.index_cast %parallel_loop3A_64 : i32 to index
      %parallel_loop3A_409 = arith.index_cast %parallel_loop3A_407 : i32 to index
      %parallel_loop3A_410 = arith.constant 80 : index
      %parallel_loop3A_411 = tpu.vector_load %arg8[%parallel_loop3A_408, %parallel_loop3A_409, %parallel_loop3A_410] {strides = array<i32>} : memref<79x2x128xf32, #tpu.memory_space<vmem>>, vector<16xf32>,
      tpu.vector_store %arg8[%parallel_loop3A_408, %parallel_loop3A_409, %parallel_loop3A_410], %parallel_loop3A_400 {strides = array<i32>} : memref<79x2x128xf32, #tpu.memory_space<vmem>>, vector<16xf32>,
      %parallel_loop3A_412 = arith.constant 0.000000e+00 : f32
      %parallel_loop3A_413 = vector.broadcast %parallel_loop3A_412 : f32 to vector<16xf32>
      %parallel_loop3A_414 = arith.subf %parallel_loop3A_413, %parallel_loop3A_400 : vector<16xf32>
      %parallel_loop3A_415 = arith.constant 1 : i32
      %parallel_loop3A_416 = arith.index_cast %parallel_loop3A_64 : i32 to index
      %parallel_loop3A_417 = arith.index_cast %parallel_loop3A_415 : i32 to index
      %parallel_loop3A_418 = arith.constant 80 : index
      %parallel_loop3A_419 = tpu.vector_load %arg8[%parallel_loop3A_416, %parallel_loop3A_417, %parallel_loop3A_418] {strides = array<i32>} : memref<79x2x128xf32, #tpu.memory_space<vmem>>, vector<16xf32>,
      tpu.vector_store %arg8[%parallel_loop3A_416, %parallel_loop3A_417, %parallel_loop3A_418], %parallel_loop3A_414 {strides = array<i32>} : memref<79x2x128xf32, #tpu.memory_space<vmem>>, vector<16xf32>,
      %parallel_loop3A_420 = arith.constant 0.000000e+00 : f32
      %parallel_loop3A_421 = vector.broadcast %parallel_loop3A_420 : f32 to vector<16xf32>
      %parallel_loop3A_422 = arith.subf %parallel_loop3A_421, %parallel_loop3A_406 : vector<16xf32>
      %parallel_loop3A_423 = arith.constant 0 : i32
      %parallel_loop3A_424 = arith.index_cast %parallel_loop3A_64 : i32 to index
      %parallel_loop3A_425 = arith.index_cast %parallel_loop3A_423 : i32 to index
      %parallel_loop3A_426 = arith.constant 80 : index
      %parallel_loop3A_427 = tpu.vector_load %arg9[%parallel_loop3A_424, %parallel_loop3A_425, %parallel_loop3A_426] {strides = array<i32>} : memref<79x2x128xf32, #tpu.memory_space<vmem>>, vector<16xf32>,
      tpu.vector_store %arg9[%parallel_loop3A_424, %parallel_loop3A_425, %parallel_loop3A_426], %parallel_loop3A_422 {strides = array<i32>} : memref<79x2x128xf32, #tpu.memory_space<vmem>>, vector<16xf32>,
      %parallel_loop3A_428 = arith.constant 1 : i32
      %parallel_loop3A_429 = arith.index_cast %parallel_loop3A_64 : i32 to index
      %parallel_loop3A_430 = arith.index_cast %parallel_loop3A_428 : i32 to index
      %parallel_loop3A_431 = arith.constant 80 : index
      %parallel_loop3A_432 = tpu.vector_load %arg9[%parallel_loop3A_429, %parallel_loop3A_430, %parallel_loop3A_431] {strides = array<i32>} : memref<79x2x128xf32, #tpu.memory_space<vmem>>, vector<16xf32>,
      tpu.vector_store %arg9[%parallel_loop3A_429, %parallel_loop3A_430, %parallel_loop3A_431], %parallel_loop3A_406 {strides = array<i32>} : memref<79x2x128xf32, #tpu.memory_space<vmem>>, vector<16xf32>,
      %parallel_loop3A_433 = arith.constant 96 : i32
      %parallel_loop3A_434 = arith.addi %parallel_loop3A_66, %parallel_loop3A_433 : i32
      %parallel_loop3A_435 = arith.index_cast %parallel_loop3A_434 : i32 to index
      %parallel_loop3A_436 = tpu.vector_load %arg6[%parallel_loop3A_435] {strides = array<i32>} : memref<10112xi32, #tpu.memory_space<vmem>>, vector<16xi32>,
      %parallel_loop3A_437 = arith.constant 96 : i32
      %parallel_loop3A_438 = arith.addi %parallel_loop3A_66, %parallel_loop3A_437 : i32
      %parallel_loop3A_439 = arith.index_cast %parallel_loop3A_438 : i32 to index
      %parallel_loop3A_440 = tpu.vector_load %arg7[%parallel_loop3A_439] {strides = array<i32>} : memref<10112xi32, #tpu.memory_space<vmem>>, vector<16xi32>,
      %parallel_loop3A_441 = tpu.vector_load_idx %arg5[%parallel_loop3A_436] : memref<40000xf32, #tpu.memory_space<vmem>>[vector<16xi32>], vector<16xf32>,
      %parallel_loop3A_442 = arith.constant 10000 : i32
      %parallel_loop3A_443 = vector.broadcast %parallel_loop3A_442 : i32 to vector<16xi32>
      %parallel_loop3A_444 = arith.addi %parallel_loop3A_440, %parallel_loop3A_443 : vector<16xi32>
      %parallel_loop3A_445 = tpu.vector_load_idx %arg5[%parallel_loop3A_444] : memref<40000xf32, #tpu.memory_space<vmem>>[vector<16xi32>], vector<16xf32>,
      %parallel_loop3A_446 = arith.mulf %parallel_loop3A_441, %parallel_loop3A_445 : vector<16xf32>
      %parallel_loop3A_447 = arith.constant 20000 : i32
      %parallel_loop3A_448 = vector.broadcast %parallel_loop3A_447 : i32 to vector<16xi32>
      %parallel_loop3A_449 = arith.addi %parallel_loop3A_436, %parallel_loop3A_448 : vector<16xi32>
      %parallel_loop3A_450 = tpu.vector_load_idx %arg5[%parallel_loop3A_449] : memref<40000xf32, #tpu.memory_space<vmem>>[vector<16xi32>], vector<16xf32>,
      %parallel_loop3A_451 = arith.constant 30000 : i32
      %parallel_loop3A_452 = vector.broadcast %parallel_loop3A_451 : i32 to vector<16xi32>
      %parallel_loop3A_453 = arith.addi %parallel_loop3A_440, %parallel_loop3A_452 : vector<16xi32>
      %parallel_loop3A_454 = tpu.vector_load_idx %arg5[%parallel_loop3A_453] : memref<40000xf32, #tpu.memory_space<vmem>>[vector<16xi32>], vector<16xf32>,
      %parallel_loop3A_455 = arith.mulf %parallel_loop3A_450, %parallel_loop3A_454 : vector<16xf32>
      %parallel_loop3A_456 = arith.constant 1.000000e+00 : f32
      %parallel_loop3A_457 = vector.broadcast %parallel_loop3A_456 : f32 to vector<16xf32>
      %parallel_loop3A_458 = arith.addf %parallel_loop3A_457, %parallel_loop3A_446 : vector<16xf32>
      %parallel_loop3A_459 = arith.constant 1.000000e+00 : f32
      %parallel_loop3A_460 = vector.broadcast %parallel_loop3A_459 : f32 to vector<16xf32>
      %parallel_loop3A_461 = arith.divf %parallel_loop3A_460, %parallel_loop3A_458 : vector<16xf32>
      %parallel_loop3A_462 = arith.constant 1.000000e+00 : f32
      %parallel_loop3A_463 = vector.broadcast %parallel_loop3A_462 : f32 to vector<16xf32>
      %parallel_loop3A_464 = arith.addf %parallel_loop3A_463, %parallel_loop3A_455 : vector<16xf32>
      %parallel_loop3A_465 = arith.constant 1.000000e+00 : f32
      %parallel_loop3A_466 = vector.broadcast %parallel_loop3A_465 : f32 to vector<16xf32>
      %parallel_loop3A_467 = arith.divf %parallel_loop3A_466, %parallel_loop3A_464 : vector<16xf32>
      %parallel_loop3A_468 = arith.constant 0 : i32
      %parallel_loop3A_469 = arith.index_cast %parallel_loop3A_64 : i32 to index
      %parallel_loop3A_470 = arith.index_cast %parallel_loop3A_468 : i32 to index
      %parallel_loop3A_471 = arith.constant 96 : index
      %parallel_loop3A_472 = tpu.vector_load %arg8[%parallel_loop3A_469, %parallel_loop3A_470, %parallel_loop3A_471] {strides = array<i32>} : memref<79x2x128xf32, #tpu.memory_space<vmem>>, vector<16xf32>,
      tpu.vector_store %arg8[%parallel_loop3A_469, %parallel_loop3A_470, %parallel_loop3A_471], %parallel_loop3A_461 {strides = array<i32>} : memref<79x2x128xf32, #tpu.memory_space<vmem>>, vector<16xf32>,
      %parallel_loop3A_473 = arith.constant 0.000000e+00 : f32
      %parallel_loop3A_474 = vector.broadcast %parallel_loop3A_473 : f32 to vector<16xf32>
      %parallel_loop3A_475 = arith.subf %parallel_loop3A_474, %parallel_loop3A_461 : vector<16xf32>
      %parallel_loop3A_476 = arith.constant 1 : i32
      %parallel_loop3A_477 = arith.index_cast %parallel_loop3A_64 : i32 to index
      %parallel_loop3A_478 = arith.index_cast %parallel_loop3A_476 : i32 to index
      %parallel_loop3A_479 = arith.constant 96 : index
      %parallel_loop3A_480 = tpu.vector_load %arg8[%parallel_loop3A_477, %parallel_loop3A_478, %parallel_loop3A_479] {strides = array<i32>} : memref<79x2x128xf32, #tpu.memory_space<vmem>>, vector<16xf32>,
      tpu.vector_store %arg8[%parallel_loop3A_477, %parallel_loop3A_478, %parallel_loop3A_479], %parallel_loop3A_475 {strides = array<i32>} : memref<79x2x128xf32, #tpu.memory_space<vmem>>, vector<16xf32>,
      %parallel_loop3A_481 = arith.constant 0.000000e+00 : f32
      %parallel_loop3A_482 = vector.broadcast %parallel_loop3A_481 : f32 to vector<16xf32>
      %parallel_loop3A_483 = arith.subf %parallel_loop3A_482, %parallel_loop3A_467 : vector<16xf32>
      %parallel_loop3A_484 = arith.constant 0 : i32
      %parallel_loop3A_485 = arith.index_cast %parallel_loop3A_64 : i32 to index
      %parallel_loop3A_486 = arith.index_cast %parallel_loop3A_484 : i32 to index
      %parallel_loop3A_487 = arith.constant 96 : index
      %parallel_loop3A_488 = tpu.vector_load %arg9[%parallel_loop3A_485, %parallel_loop3A_486, %parallel_loop3A_487] {strides = array<i32>} : memref<79x2x128xf32, #tpu.memory_space<vmem>>, vector<16xf32>,
      tpu.vector_store %arg9[%parallel_loop3A_485, %parallel_loop3A_486, %parallel_loop3A_487], %parallel_loop3A_483 {strides = array<i32>} : memref<79x2x128xf32, #tpu.memory_space<vmem>>, vector<16xf32>,
      %parallel_loop3A_489 = arith.constant 1 : i32
      %parallel_loop3A_490 = arith.index_cast %parallel_loop3A_64 : i32 to index
      %parallel_loop3A_491 = arith.index_cast %parallel_loop3A_489 : i32 to index
      %parallel_loop3A_492 = arith.constant 96 : index
      %parallel_loop3A_493 = tpu.vector_load %arg9[%parallel_loop3A_490, %parallel_loop3A_491, %parallel_loop3A_492] {strides = array<i32>} : memref<79x2x128xf32, #tpu.memory_space<vmem>>, vector<16xf32>,
      tpu.vector_store %arg9[%parallel_loop3A_490, %parallel_loop3A_491, %parallel_loop3A_492], %parallel_loop3A_467 {strides = array<i32>} : memref<79x2x128xf32, #tpu.memory_space<vmem>>, vector<16xf32>,
      %parallel_loop3A_494 = arith.constant 112 : i32
      %parallel_loop3A_495 = arith.addi %parallel_loop3A_66, %parallel_loop3A_494 : i32
      %parallel_loop3A_496 = arith.index_cast %parallel_loop3A_495 : i32 to index
      %parallel_loop3A_497 = tpu.vector_load %arg6[%parallel_loop3A_496] {strides = array<i32>} : memref<10112xi32, #tpu.memory_space<vmem>>, vector<16xi32>,
      %parallel_loop3A_498 = arith.constant 112 : i32
      %parallel_loop3A_499 = arith.addi %parallel_loop3A_66, %parallel_loop3A_498 : i32
      %parallel_loop3A_500 = arith.index_cast %parallel_loop3A_499 : i32 to index
      %parallel_loop3A_501 = tpu.vector_load %arg7[%parallel_loop3A_500] {strides = array<i32>} : memref<10112xi32, #tpu.memory_space<vmem>>, vector<16xi32>,
      %parallel_loop3A_502 = tpu.vector_load_idx %arg5[%parallel_loop3A_497] : memref<40000xf32, #tpu.memory_space<vmem>>[vector<16xi32>], vector<16xf32>,
      %parallel_loop3A_503 = arith.constant 10000 : i32
      %parallel_loop3A_504 = vector.broadcast %parallel_loop3A_503 : i32 to vector<16xi32>
      %parallel_loop3A_505 = arith.addi %parallel_loop3A_501, %parallel_loop3A_504 : vector<16xi32>
      %parallel_loop3A_506 = tpu.vector_load_idx %arg5[%parallel_loop3A_505] : memref<40000xf32, #tpu.memory_space<vmem>>[vector<16xi32>], vector<16xf32>,
      %parallel_loop3A_507 = arith.mulf %parallel_loop3A_502, %parallel_loop3A_506 : vector<16xf32>
      %parallel_loop3A_508 = arith.constant 20000 : i32
      %parallel_loop3A_509 = vector.broadcast %parallel_loop3A_508 : i32 to vector<16xi32>
      %parallel_loop3A_510 = arith.addi %parallel_loop3A_497, %parallel_loop3A_509 : vector<16xi32>
      %parallel_loop3A_511 = tpu.vector_load_idx %arg5[%parallel_loop3A_510] : memref<40000xf32, #tpu.memory_space<vmem>>[vector<16xi32>], vector<16xf32>,
      %parallel_loop3A_512 = arith.constant 30000 : i32
      %parallel_loop3A_513 = vector.broadcast %parallel_loop3A_512 : i32 to vector<16xi32>
      %parallel_loop3A_514 = arith.addi %parallel_loop3A_501, %parallel_loop3A_513 : vector<16xi32>
      %parallel_loop3A_515 = tpu.vector_load_idx %arg5[%parallel_loop3A_514] : memref<40000xf32, #tpu.memory_space<vmem>>[vector<16xi32>], vector<16xf32>,
      %parallel_loop3A_516 = arith.mulf %parallel_loop3A_511, %parallel_loop3A_515 : vector<16xf32>
      %parallel_loop3A_517 = arith.constant 1.000000e+00 : f32
      %parallel_loop3A_518 = vector.broadcast %parallel_loop3A_517 : f32 to vector<16xf32>
      %parallel_loop3A_519 = arith.addf %parallel_loop3A_518, %parallel_loop3A_507 : vector<16xf32>
      %parallel_loop3A_520 = arith.constant 1.000000e+00 : f32
      %parallel_loop3A_521 = vector.broadcast %parallel_loop3A_520 : f32 to vector<16xf32>
      %parallel_loop3A_522 = arith.divf %parallel_loop3A_521, %parallel_loop3A_519 : vector<16xf32>
      %parallel_loop3A_523 = arith.constant 1.000000e+00 : f32
      %parallel_loop3A_524 = vector.broadcast %parallel_loop3A_523 : f32 to vector<16xf32>
      %parallel_loop3A_525 = arith.addf %parallel_loop3A_524, %parallel_loop3A_516 : vector<16xf32>
      %parallel_loop3A_526 = arith.constant 1.000000e+00 : f32
      %parallel_loop3A_527 = vector.broadcast %parallel_loop3A_526 : f32 to vector<16xf32>
      %parallel_loop3A_528 = arith.divf %parallel_loop3A_527, %parallel_loop3A_525 : vector<16xf32>
      %parallel_loop3A_529 = arith.constant 0 : i32
      %parallel_loop3A_530 = arith.index_cast %parallel_loop3A_64 : i32 to index
      %parallel_loop3A_531 = arith.index_cast %parallel_loop3A_529 : i32 to index
      %parallel_loop3A_532 = arith.constant 112 : index
      %parallel_loop3A_533 = tpu.vector_load %arg8[%parallel_loop3A_530, %parallel_loop3A_531, %parallel_loop3A_532] {strides = array<i32>} : memref<79x2x128xf32, #tpu.memory_space<vmem>>, vector<16xf32>,
      tpu.vector_store %arg8[%parallel_loop3A_530, %parallel_loop3A_531, %parallel_loop3A_532], %parallel_loop3A_522 {strides = array<i32>} : memref<79x2x128xf32, #tpu.memory_space<vmem>>, vector<16xf32>,
      %parallel_loop3A_534 = arith.constant 0.000000e+00 : f32
      %parallel_loop3A_535 = vector.broadcast %parallel_loop3A_534 : f32 to vector<16xf32>
      %parallel_loop3A_536 = arith.subf %parallel_loop3A_535, %parallel_loop3A_522 : vector<16xf32>
      %parallel_loop3A_537 = arith.constant 1 : i32
      %parallel_loop3A_538 = arith.index_cast %parallel_loop3A_64 : i32 to index
      %parallel_loop3A_539 = arith.index_cast %parallel_loop3A_537 : i32 to index
      %parallel_loop3A_540 = arith.constant 112 : index
      %parallel_loop3A_541 = tpu.vector_load %arg8[%parallel_loop3A_538, %parallel_loop3A_539, %parallel_loop3A_540] {strides = array<i32>} : memref<79x2x128xf32, #tpu.memory_space<vmem>>, vector<16xf32>,
      tpu.vector_store %arg8[%parallel_loop3A_538, %parallel_loop3A_539, %parallel_loop3A_540], %parallel_loop3A_536 {strides = array<i32>} : memref<79x2x128xf32, #tpu.memory_space<vmem>>, vector<16xf32>,
      %parallel_loop3A_542 = arith.constant 0.000000e+00 : f32
      %parallel_loop3A_543 = vector.broadcast %parallel_loop3A_542 : f32 to vector<16xf32>
      %parallel_loop3A_544 = arith.subf %parallel_loop3A_543, %parallel_loop3A_528 : vector<16xf32>
      %parallel_loop3A_545 = arith.constant 0 : i32
      %parallel_loop3A_546 = arith.index_cast %parallel_loop3A_64 : i32 to index
      %parallel_loop3A_547 = arith.index_cast %parallel_loop3A_545 : i32 to index
      %parallel_loop3A_548 = arith.constant 112 : index
      %parallel_loop3A_549 = tpu.vector_load %arg9[%parallel_loop3A_546, %parallel_loop3A_547, %parallel_loop3A_548] {strides = array<i32>} : memref<79x2x128xf32, #tpu.memory_space<vmem>>, vector<16xf32>,
      tpu.vector_store %arg9[%parallel_loop3A_546, %parallel_loop3A_547, %parallel_loop3A_548], %parallel_loop3A_544 {strides = array<i32>} : memref<79x2x128xf32, #tpu.memory_space<vmem>>, vector<16xf32>,
      %parallel_loop3A_550 = arith.constant 1 : i32
      %parallel_loop3A_551 = arith.index_cast %parallel_loop3A_64 : i32 to index
      %parallel_loop3A_552 = arith.index_cast %parallel_loop3A_550 : i32 to index
      %parallel_loop3A_553 = arith.constant 112 : index
      %parallel_loop3A_554 = tpu.vector_load %arg9[%parallel_loop3A_551, %parallel_loop3A_552, %parallel_loop3A_553] {strides = array<i32>} : memref<79x2x128xf32, #tpu.memory_space<vmem>>, vector<16xf32>,
      tpu.vector_store %arg9[%parallel_loop3A_551, %parallel_loop3A_552, %parallel_loop3A_553], %parallel_loop3A_528 {strides = array<i32>} : memref<79x2x128xf32, #tpu.memory_space<vmem>>, vector<16xf32>,
    } {sc.loop_unroll_factor = 4 : i64, sc.parallel_access}
    %dma_start3A_28 = arith.constant 0 : i32
    %dma_start3A_29 = arith.constant 0 : i32
    %dma_start3A_30 = arith.constant 0 : i32
    %dma_start3A_31 = tpu.memref_slice %arg4[%dma_start3A_28, %add3A_5, %dma_start3A_29, %dma_start3A_30] : memref<2x2500x2x128xf32, #tpu.memory_space<hbm>> -> memref<1x79x2x128xf32, #tpu.memory_space<hbm>>
    %dma_start3A_32 = tpu.memref_squeeze %dma_start3A_31 : memref<1x79x2x128xf32, #tpu.memory_space<hbm>> -> memref<79x2x128xf32, #tpu.memory_space<hbm>>
    %dma_start3A_33 = arith.constant 0 : i32
    %dma_start3A_34 = arith.constant 0 : i32
    %dma_start3A_35 = tpu.memref_slice %arg4[%dma_start3A_28, %add3A_5, %dma_start3A_33, %dma_start3A_34] : memref<2x2500x2x128xf32, #tpu.memory_space<hbm>> -> memref<1x79x2x128xf32, #tpu.memory_space<hbm>>
    %dma_start3A_36 = tpu.memref_squeeze %dma_start3A_35 : memref<1x79x2x128xf32, #tpu.memory_space<hbm>> -> memref<79x2x128xf32, #tpu.memory_space<hbm>>
    tpu.enqueue_dma source(%arg8 : memref<79x2x128xf32, #tpu.memory_space<vmem>>) target(%dma_start3A_36 : memref<79x2x128xf32, #tpu.memory_space<hbm>>) target_semaphore(%arg10 : memref<!tpu.dma_semaphore, #tpu.memory_space<semaphore_mem>>)
    %dma_start3A_37 = arith.constant 1 : i32
    %dma_start3A_38 = arith.constant 0 : i32
    %dma_start3A_39 = arith.constant 0 : i32
    %dma_start3A_40 = tpu.memref_slice %arg4[%dma_start3A_37, %add3A_5, %dma_start3A_38, %dma_start3A_39] : memref<2x2500x2x128xf32, #tpu.memory_space<hbm>> -> memref<1x79x2x128xf32, #tpu.memory_space<hbm>>
    %dma_start3A_41 = tpu.memref_squeeze %dma_start3A_40 : memref<1x79x2x128xf32, #tpu.memory_space<hbm>> -> memref<79x2x128xf32, #tpu.memory_space<hbm>>
    %dma_start3A_42 = arith.constant 0 : i32
    %dma_start3A_43 = arith.constant 0 : i32
    %dma_start3A_44 = tpu.memref_slice %arg4[%dma_start3A_37, %add3A_5, %dma_start3A_42, %dma_start3A_43] : memref<2x2500x2x128xf32, #tpu.memory_space<hbm>> -> memref<1x79x2x128xf32, #tpu.memory_space<hbm>>
    %dma_start3A_45 = tpu.memref_squeeze %dma_start3A_44 : memref<1x79x2x128xf32, #tpu.memory_space<hbm>> -> memref<79x2x128xf32, #tpu.memory_space<hbm>>
    tpu.enqueue_dma source(%arg9 : memref<79x2x128xf32, #tpu.memory_space<vmem>>) target(%dma_start3A_45 : memref<79x2x128xf32, #tpu.memory_space<hbm>>) target_semaphore(%arg10 : memref<!tpu.dma_semaphore, #tpu.memory_space<semaphore_mem>>)
    %dma_wait3A_46 = arith.constant 0 : i32
    %dma_wait3A_47 = arith.constant 0 : i32
    %dma_wait3A_48 = arith.constant 0 : i32
    %dma_wait3A_49 = tpu.memref_slice %arg4[%dma_wait3A_46, %add3A_5, %dma_wait3A_47, %dma_wait3A_48] : memref<2x2500x2x128xf32, #tpu.memory_space<hbm>> -> memref<1x79x2x128xf32, #tpu.memory_space<hbm>>
    %dma_wait3A_50 = tpu.memref_squeeze %dma_wait3A_49 : memref<1x79x2x128xf32, #tpu.memory_space<hbm>> -> memref<79x2x128xf32, #tpu.memory_space<hbm>>
    %dma_wait3A_51 = arith.constant 0 : i32
    %dma_wait3A_52 = arith.constant 0 : i32
    %dma_wait3A_53 = tpu.memref_slice %arg4[%dma_wait3A_46, %add3A_5, %dma_wait3A_51, %dma_wait3A_52] : memref<2x2500x2x128xf32, #tpu.memory_space<hbm>> -> memref<1x79x2x128xf32, #tpu.memory_space<hbm>>
    %dma_wait3A_54 = tpu.memref_squeeze %dma_wait3A_53 : memref<1x79x2x128xf32, #tpu.memory_space<hbm>> -> memref<79x2x128xf32, #tpu.memory_space<hbm>>
    tpu.wait_dma2 semaphore(%arg10 : memref<!tpu.dma_semaphore, #tpu.memory_space<semaphore_mem>>) src(%arg8 : memref<79x2x128xf32, #tpu.memory_space<vmem>>) dst(%dma_wait3A_54 : memref<79x2x128xf32, #tpu.memory_space<hbm>>)
    %dma_wait3A_55 = arith.constant 1 : i32
    %dma_wait3A_56 = arith.constant 0 : i32
    %dma_wait3A_57 = arith.constant 0 : i32
    %dma_wait3A_58 = tpu.memref_slice %arg4[%dma_wait3A_55, %add3A_5, %dma_wait3A_56, %dma_wait3A_57] : memref<2x2500x2x128xf32, #tpu.memory_space<hbm>> -> memref<1x79x2x128xf32, #tpu.memory_space<hbm>>
    %dma_wait3A_59 = tpu.memref_squeeze %dma_wait3A_58 : memref<1x79x2x128xf32, #tpu.memory_space<hbm>> -> memref<79x2x128xf32, #tpu.memory_space<hbm>>
    %dma_wait3A_60 = arith.constant 0 : i32
    %dma_wait3A_61 = arith.constant 0 : i32
    %dma_wait3A_62 = tpu.memref_slice %arg4[%dma_wait3A_55, %add3A_5, %dma_wait3A_60, %dma_wait3A_61] : memref<2x2500x2x128xf32, #tpu.memory_space<hbm>> -> memref<1x79x2x128xf32, #tpu.memory_space<hbm>>
    %dma_wait3A_63 = tpu.memref_squeeze %dma_wait3A_62 : memref<1x79x2x128xf32, #tpu.memory_space<hbm>> -> memref<79x2x128xf32, #tpu.memory_space<hbm>>
    tpu.wait_dma2 semaphore(%arg10 : memref<!tpu.dma_semaphore, #tpu.memory_space<semaphore_mem>>) src(%arg9 : memref<79x2x128xf32, #tpu.memory_space<vmem>>) dst(%dma_wait3A_63 : memref<79x2x128xf32, #tpu.memory_space<hbm>>)
    return
  }
}

module attributes {stable_mosaic.version = 14 : i64} {
  func.func @_table_body(%arg0: memref<10000x128xf32, #tpu.memory_space<vmem>>, %arg1: memref<128x8xf32, #tpu.memory_space<vmem>>, %arg2: memref<8x10000xf32, #tpu.memory_space<vmem>>) attributes {dimension_semantics = [], scalar_prefetch = 0 : i64, scratch_operands = 0 : i64, tpu.core_type = #tpu.core_type<tc>} {
    %get3A = arith.constant 0 : index
    %get3A_0 = arith.constant 0 : index
    %get3A_1 = vector.load %arg1[%get3A, %get3A_0] : memref<128x8xf32, #tpu.memory_space<vmem>>, vector<128x8xf32>
    %get3A_2 = arith.constant 0 : index
    %get3A_3 = arith.constant 0 : index
    %get3A_4 = vector.load %arg0[%get3A_2, %get3A_3] : memref<10000x128xf32, #tpu.memory_space<vmem>>, vector<10000x128xf32>
    %dot_general3A = arith.constant dense<0.000000e+00> : vector<8x10000xf32>
    %dot_general3A_5 = tpu.matmul %get3A_1, %get3A_4, %dot_general3A {dimension_numbers = #tpu.dot_dimension_numbers<[0], [1], [1], [0], [0, 1, 1, 0], [], []>, transpose_lhs_hint = false} : vector<128x8xf32>, vector<10000x128xf32>, vector<8x10000xf32> -> vector<8x10000xf32>
    %neg3A = arith.constant 0.000000e+00 : f32
    %neg3A_6 = vector.broadcast %neg3A : f32 to vector<8x10000xf32>
    %neg3A_7 = arith.subf %neg3A_6, %dot_general3A_5 : vector<8x10000xf32>
    %exp3A = math.exp %neg3A_7 : vector<8x10000xf32>
    %swap3A = arith.constant 0 : index
    %swap3A_8 = arith.constant 0 : index
    %swap3A_9 = vector.load %arg2[%swap3A, %swap3A_8] : memref<8x10000xf32, #tpu.memory_space<vmem>>, vector<8x10000xf32>
    tpu.vector_store %arg2[%swap3A, %swap3A_8], %exp3A {strides = array<i32>} : memref<8x10000xf32, #tpu.memory_space<vmem>>, vector<8x10000xf32>,
    return
  }
}

</mosaic_0001>

<sc_bundles>
// kernel: kernel.4.cloned.1.call-start
scs
__scs_entry_jumppad:
0x0: {  	(pc) =	sbr.rel $0x88, $3  }
0x1: {  	(tag) =	ssettag $0x0;
	lr =	simm.s32 $0x1  }
0x2: {  	[smem:$0x3F9E] =	sst lr;
	_ =	strace $0xD0000000  }
0x3: {  	_ = 	snop  }
0x4: {  	_ = 	snop  }
0x5: {  	_ = 	snop  }
0x6: {  	_ = 	snop  }
0x7: {  	_ = 	snop  }
__scs_overlays_trampoline_lowered:
0x8: {  	[smem:$0x3FAD] =	sst s0  }
0x9: {  	[smem:$0x3FAE] =	sst s1  }
0xa: {  	[smem:$0x3FAF] =	sst s2  }
0xb: {  	[smem:$0x3FB0] =	sst s3  }
0xc: {  	[smem:$0x3FB1] =	sst s4  }
0xd: {  	[smem:$0x3FB2] =	sst s5  }
0xe: {  	[smem:$0x3FB3] =	sst s6  }
0xf: {  	[smem:$0x3FB4] =	sst s7  }
0x10: {  	[smem:$0x3FB5] =	sst s8  }
0x11: {  	[smem:$0x3FB6] =	sst s9;
	s0 =	simm.s32 @!p0 $0x0  }
0x12: {  	s1 =	sld [smem:$0x3F9C];
	s0 =	simm.s32 @p0 $0x1  }
0x13: {  	[smem:$0x3FB7] =	sst s0;
	s0 =	simm.s32 @!p1 $0x0  }
0x14: {  	s2 =	sld [smem:$0x3F9B];
	s0 =	simm.s32 @p1 $0x1  }
0x15: {  	[smem:$0x3FB8] =	sst s0;
	s0 =	simm.s32 @!p2 $0x0  }
0x16: {  	s3 =	sld [smem:$0x3FDB];
	s0 =	simm.s32 @p2 $0x1  }
0x17: {  	s4 =	simm.s32 $0x1BF5;
	[smem:$0x3FBA] =	sst s0  }
0x18: {  	s0 =	sld [smem:$0x3F9D];
	_ =	swait.ge [sflag:s4], $0x0  }
0x19: {  	s7 =	sld [smem:$0x3F9E]  }
0x1a: {  	s8 =	sadd.s32 $0xFFFFE003, lr  }
0x1b: {  	s9 =	sadd.s32 $0xFFFFFEF7, lr;
	s5 =	simm.s32 $0xFFFFFFFF;
	p2 =	slt.u32 s8, $0xFFFFF086  }
0x1c: {  	p1 =	slt.u32 s9, $0xF7A;
	s5 =	simm.s32 @!p2 $0x0  }
0x1d: {  	s5 =	simm.s32 @p1 $0x1;
	p0 =	seq.s32 s7, s2  }
0x1e: {  	s7 =	smul.u32 @!p0 $0xF7A, s2;
	p2 =	seq.s32 @!p0 s5, $0x0  }
0x1f: {  	s9 =	smul.u32 $0xF7A, s1;
	s8 =	simm.s32 @!p0 $0x1BF5;
	p2 =	por !p2, p0  }
0x20: {  	[sflag:s8] =	ssyncset.s32 @!p0 $0xFFFFF086;
	s6 =	sadd.s32 @!p0 s3, s7;
	s7 =	simm.s32 @!p0 $0x108  }
0x21: {  	s3 =	sadd.s32 s3, s9;
	s6 =	sadd.s32 @!p0 $0x88, s6;
	s7 =	simm.s32 @p2 $0x1082  }
0x22: {  	[simem:s7], [sflag:s8] =	dma.local @!p0 [hbm:s6], $0xF7A  }
0x23: {  	s9 =	sor.u32 $0xD0000000, s2;
	s6 =	simm.s32 $0x108;
	_ =	swait.ge @!p0 [sflag:s8], $0x0  }
0x24: {  	s3 =	sadd.s32 $0x88, s3;
	s6 =	simm.s32 @!p1 $0x1082;
	[sflag:s4] =	ssyncset.s32 $0xFFFFF086  }
0x25: {  	[simem:s6], [sflag:s4] =	dma.local [hbm:s3], $0xF7A  }
0x26: {  	[smem:$0x3F9E] =	sst s1;
	(tag) =	ssettag s2;
	_ =	strace s9  }
0x27: {  	s1 =	sld [smem:$0x3FAE]  }
0x28: {  	s2 =	sld [smem:$0x3FAF]  }
0x29: {  	s4 =	sld [smem:$0x3FB1]  }
0x2a: {  	p0 =	seq.s32 s5, $0x0;
	s5 =	sld [smem:$0x3FB2]  }
0x2b: {  	s6 =	sld [smem:$0x3FB3]  }
0x2c: {  	s7 =	sld [smem:$0x3FB4]  }
0x2d: {  	s3 =	simm.s32 $0x108;
	s8 =	sld [smem:$0x3FB5]  }
0x2e: {  	s3 =	simm.s32 @!p0 $0x1082;
	s9 =	sld [smem:$0x3FB6]  }
0x2f: {  	lr =	sadd.s32 s0, s3;
	s0 =	sld [smem:$0x3FAD]  }
0x30: {  	s3 =	sld [smem:$0x3FB0]  }
0x31: {  	[smem:$0x3FB9] =	sst s10  }
0x32: {  	s10 =	sld [smem:$0x3FB7];
	_ =	sdelay $0x3  }
0x33: {  	p0 =	seq.s32 s10, $0x1;
	s10 =	sld [smem:$0x3FB9];
	_ =	sdelay $0x3  }
0x34: {  	[smem:$0x3FB9] =	sst s10  }
0x35: {  	s10 =	sld [smem:$0x3FB8];
	_ =	sdelay $0x3  }
0x36: {  	p1 =	seq.s32 s10, $0x1;
	s10 =	sld [smem:$0x3FB9];
	_ =	sdelay $0x3  }
0x37: {  	[smem:$0x3FB9] =	sst s10  }
0x38: {  	s10 =	sld [smem:$0x3FBA]  }
0x39: {  	_ = 	snop;
	(pc) =	sbr.ind lr, $3  }
0x3a: {  	_ = 	snop  }
0x3b: {  	_ = 	snop  }
0x3c: {  	p2 =	seq.s32 s10, $0x1;
	s10 =	sld [smem:$0x3FB9]  }
0x3d: {  	_ =	shalt  }
0x3e: {  	_ =	shalt  }
0x3f: {  	_ =	shalt  }
0x40: {  	_ =	shalt  }
0x41: {  	_ =	shalt  }
0x42: {  	_ =	shalt  }
0x43: {  	_ =	shalt  }
0x44: {  	_ =	shalt  }
0x45: {  	_ =	shalt  }
0x46: {  	_ =	shalt  }
0x47: {  	_ =	shalt  }
0x48: {  	_ =	shalt  }
0x49: {  	_ =	shalt  }
0x4a: {  	_ =	shalt  }
0x4b: {  	_ =	shalt  }
0x4c: {  	_ =	shalt  }
0x4d: {  	_ =	shalt  }
0x4e: {  	_ =	shalt  }
0x4f: {  	_ =	shalt  }
0x50: {  	_ =	shalt  }
0x51: {  	_ =	shalt  }
0x52: {  	_ =	shalt  }
0x53: {  	_ =	shalt  }
0x54: {  	_ =	shalt  }
0x55: {  	_ =	shalt  }
0x56: {  	_ =	shalt  }
0x57: {  	_ =	shalt  }
0x58: {  	_ =	shalt  }
0x59: {  	_ =	shalt  }
0x5a: {  	_ =	shalt  }
0x5b: {  	_ =	shalt  }
0x5c: {  	_ =	shalt  }
0x5d: {  	_ =	shalt  }
0x5e: {  	_ =	shalt  }
0x5f: {  	_ =	shalt  }
0x60: {  	_ =	shalt  }
0x61: {  	_ =	shalt  }
0x62: {  	_ =	shalt  }
0x63: {  	_ =	shalt  }
0x64: {  	_ =	shalt  }
0x65: {  	_ =	shalt  }
0x66: {  	_ =	shalt  }
0x67: {  	_ =	shalt  }
0x68: {  	_ =	shalt  }
0x69: {  	_ =	shalt  }
0x6a: {  	_ =	shalt  }
0x6b: {  	_ =	shalt  }
0x6c: {  	_ =	shalt  }
0x6d: {  	_ =	shalt  }
0x6e: {  	_ =	shalt  }
0x6f: {  	_ =	shalt  }
0x70: {  	_ =	shalt  }
0x71: {  	_ =	shalt  }
0x72: {  	_ =	shalt  }
0x73: {  	_ =	shalt  }
0x74: {  	_ =	shalt  }
0x75: {  	_ =	shalt  }
0x76: {  	_ =	shalt  }
0x77: {  	_ =	shalt  }
0x78: {  	_ =	shalt  }
0x79: {  	_ =	shalt  }
0x7a: {  	_ =	shalt  }
0x7b: {  	_ =	shalt  }
0x7c: {  	_ =	shalt  }
0x7d: {  	_ =	shalt  }
0x7e: {  	_ =	shalt  }
0x7f: {  	_ =	shalt  }
0x80: {  	_ =	shalt  }
0x81: {  	_ =	shalt  }
0x82: {  	_ =	shalt  }
0x83: {  	_ =	shalt  }
0x84: {  	_ =	shalt  }
0x85: {  	_ =	shalt  }
0x86: {  	_ =	shalt  }
0x87: {  	_ =	shalt  }
.Lfunc_end0:
.L_simem_size_0:
called_computation_lowered:
.L_overlay_start_0:
0x88: {  	s2 =	sld [smem:$0x3FD9]  }
0x89: {  	s3 =	sld [smem:$0x3FFE];
	_ =	sdelay $0x1  }
0x8a: {  	s1 =	srdreg.scid  }
0x8b: {  	s0 =	sand.u32 $0x1, s1  }
0x8c: {  	s17 =	sshll.u32 s0, $0xA;
	s2 =	sadd.s32 s3, s2  }
0x8d: {  	s2 =	sadd.s32 s2, s17  }
0x8e: {  	[smem:$0x3FC5] =	sst s2  }
0x8f: {  	_ = 	snop  }
0x90: {  	s2 =	sld [smem:$0x3FD0];
	(tm) =	ssettm $0x1  }
0x91: {  	s18 =	sld [smem:$0x3FFB];
	_ =	sdelay $0x3  }
0x92: {  	_ =	strace s18  }
0x93: {  	s3 =	sld [smem:$0x3FFC];
	_ =	sdelay $0x3  }
0x94: {  	_ =	strace s3  }
0x95: {  	s3 =	sld [smem:$0x3FFD];
	_ =	sdelay $0x3  }
0x96: {  	_ =	strace s3  }
0x97: {  	_ =	strace $0x8FFFFFFF  }
0x98: {  	s19 =	sld [smem:$0x3FDB];
	_ =	sdelay $0x1  }
0x99: {  	s4 =	simm.s32 $_scs_section_size  }
0x9a: {  	s5 =	simm.s32 $_size__tile_overlayer_lowered;
	s6 =	simm.s32 $_tile_overlayer_lowered  }
0x9b: {  	s22 =	simm.s32 $0x1BFF;
	s21 =	sshll.u32 s6, $0x1;
	s3 =	sadd.s32 s4, s19  }
0x9c: {  	s7 =	simm.s32 $0x0;
	s20 =	sshll.u32 s5, $0x1;
	s5 =	sadd.s32 s21, s3  }
0x9d: {  	[timem:s7], [sflag:s22] =	dma.local [hbm:s5], s20  }
0x9e: {  	_ =	swait.ge [sflag:s22], s20  }
0x9f: {  	s4 =	ssub.s32 $0x0, s20;
	[sflag:s22] =	ssyncset.done $0x0  }
0xa0: {  	[sflag:s22] =	ssyncadd.s32 s4;
	_ =	sdelay $0x1  }
0xa1: {  	s23 =	simm.s32 $0x1B8B  }
0xa2: {  	_ =	swait.ge [sflag:s23], $0x1  }
0xa3: {  	[sflag:s23] =	ssyncset.done $0x0  }
0xa4: {  	s25 =	simm.s32 $0x1B8E;
	s24 =	sld [smem:$0x3FFE];
	[sflag:s23] =	ssyncadd.s32 $0xFFFFFFFF  }
0xa5: {  	s26 =	simm.s32 $execute0_lowered;
	[smem:$0x3FD2] =	sst s25  }
0xa6: {  	s5 =	sshll.u32 s26, $0x1;
	_ =	strace $0x80000046;
	[dreg:$0x1] =	wrdreg $0xFFFFFFFF  }
0xa7: {  	s28 =	simm.s32 $_size_execute0_lowered;
	s3 =	sadd.s32 s3, s5;
	[dreg:$0x0] =	wrdreg $0x0  }
0xa8: {  	s5 =	sshll.u32 s28, $0x1;
	[dreg:$0x2] =	wrdreg s3  }
0xa9: {  	[dreg:$0x3] =	wrdreg s5  }
0xaa: {  	[dreg:$0x4] =	wrdreg $0xC0  }
0xab: {  	_ =	task [dreg:s7], $0x5FFFF  }
0xac: {  	[dreg:$0x1] =	wrdreg $0xFFFFFFFF  }
0xad: {  	[dreg:$0x0] =	wrdreg $0x60  }
0xae: {  	[dreg:$0x2] =	wrdreg s24  }
0xaf: {  	[dreg:$0x3] =	wrdreg s2  }
0xb0: {  	[dreg:$0x4] =	wrdreg $0x9  }
0xb1: {  	_ =	task.clear_ibuf [dreg:s7], $0x5FFFF;
	_ =	strace $0x90000046  }
0xb2: {  	s29 =	simm.s32 $0x9;
	_ =	strace $0x80000048  }
0xb3: {  	_ =	swait.ge [sflag:s29], $0x1  }
0xb4: {  	[sflag:s29] =	ssyncadd.s32 $0xFFFFFFFF  }
0xb5: {  	_ =	strace $0x90000048  }
0xb6: {  	_ =	sfence  }
0xb7: {  	s30 =	sld [smem:$0x0];
	_ =	sdelay $0x2  }
0xb8: {  	s31 =	sshll.u32 s1, $0xD;
	s1 =	sshrl.u32 s1, $0x2  }
0xb9: {  	s3 =	sand.u32 $0x4000, s31;
	s1 =	sadd.s32 s1, s30  }
0xba: {  	s0 =	sor.u32 s3, s0;
	s1 =	sshll.u32 s1, $0x11  }
0xbb: {  	s0 =	sor.u32 s1, s0  }
0xbc: {  	s0 =	sadd.s32 $0x8F2B, s0  }
0xbd: {  	[sflag:s0] =	ssyncadd.remote.s32 $0x1  }
0xbe: {  	_ =	sfence.sel $0xFFFF  }
0xbf: {  	[dreg:$0x0] =	wrdreg $0xFFFFFFFF;
	(pc) =	sbr.abs _section_cstart, $3  }
0xc0: {  	[dreg:$0x1] =	wrdreg $0xFFFFFFFF  }
0xc1: {  	_ =	task.clear_ibuf [dreg:s7], $0x2FFFF;
	_ =	strace $0x9FFFFFFF  }
0xc2: {  	(tm) =	ssettm $0x7FFFFFFF  }
0xc3: {  	_ =	shalt  }
tec
execute0_lowered:
.L_overlay_start_1:
0x0: {  	(tag) =	ssettag $0x1  }
0x1: {  	s1 =	srdreg.scid  }
0x2: {  	s0 =	stileid.u32;
	s5 =	rddreg [dreg:$0x0]  }
0x3: {  	s6 =	rddreg [dreg:$0x1];
	s4 =	sand.u32 $0x1, s1;
	s30 =	sshll.u32 s0, $0x1  }
0x4: {  	s2 =	simm.s32 $0x0;
	s10 =	simm.s32 $0xC3C0;
	s3 =	sor.u32 s4, s30  }
0x5: {  	s11 =	simm.s32 $0x1;
	s12 =	simm.s32 $0xEB40;
	s7 =	smul.u32 $0x4E, s3  }
0x6: {  	s13 =	simm.s32 $0x13A40;
	s14 =	simm.s32 $0x0;
	s3 =	smax.u32 s3, $0x1C  }
0x7: {  	s1 =	rddreg [dreg:$0x2];
	s4 =	ssub.s32 $0x2, s4;
	s3 =	sadd.s32 s7, s3  }
0x8: {  	[smem:$0x7FF] =	sst s2;
	s31 =	sshrl.u32 s4, $0x1;
	s7 =	sadd.s32 $0xFFFFFFE4, s3  }
0x9: {  	_ =	strace $0x80000047;
	s9 =	ssub.s32 s4, s31;
	s8 =	sshll.u32 s7, $0x4  }
0xa: {  	s3 =	sadd.s32 $0xA00, s5;
	s7 =	sshll.u32 s7, $0x5;
	s8 =	sadd.s32 s8, s5  }
0xb: {  	s5 =	sadd.s32 s6, s7;
	s4 =	sadd.s32 $0x1E00, s8;
	s6 =	sadd.s32 $0xBA40, s8  }
0xc: {  	s7 =	sadd.s32 $0x13880, s5;
	s8 =	smax.u32 s9, $0x1;
	s9 =	simm.s32 $0x9C40  }
.LBB2_1:
0xd: {  	[tilespmem:s2], [sflag:$0x1] =	stream.linear.gather [hbm4b:s3+s2], $0x9C40, $0x38;
	[tilespmem:$0x18940] =	vst v63  }
0xe: {  	_ = 	snop  }
0xf: {  	[tilespmem:s9], [sflag:$0x1] =	stream.linear.gather [hbm4b:s4+s2], $0x2780, $0x38;
	[tilespmem:$0x18940] =	vst v63  }
0x10: {  	_ = 	snop  }
0x11: {  	[tilespmem:s10], [sflag:$0x1] =	stream.linear.gather [hbm4b:s6+s2], $0x2780, $0x38;
	[tilespmem:$0x18940] =	vst v63  }
0x12: {  	_ =	swait.ge [sflag:s11], $0x9C40  }
0x13: {  	[sflag:s11] =	ssyncset.done $0x0  }
0x14: {  	[sflag:s11] =	ssyncadd.s32 $0xFFFF63C0  }
0x15: {  	_ =	swait.ge [sflag:s11], $0x2780  }
0x16: {  	[sflag:s11] =	ssyncset.done $0x0  }
0x17: {  	[sflag:s11] =	ssyncadd.s32 $0xFFFFD880  }
0x18: {  	s16 =	simm.s32 $0xFFFFFFFC;
	_ =	swait.ge [sflag:s11], $0x2780  }
0x19: {  	s17 =	simm.s32 $0x13C40;
	s18 =	simm.s32 $0xED40;
	[sflag:s11] =	ssyncset.done $0x0  }
0x1a: {  	s19 =	simm.s32 $0xC4C0;
	s20 =	simm.s32 $0x9D40;
	[sflag:s11] =	ssyncadd.s32 $0xFFFFD880  }
.LBB2_2:
0x1b: {  	v0 =	vld [tilespmem:s19+$0xFFFFFF00]  }
0x1c: {  	v1 =	vld [tilespmem:s20+$0xFFFFFF00];
	_ =	sdelay $0x3  }
0x1d: {  	v2 =	vadd.s32 $0x2710, v0  }
0x1e: {  	v3 =	vadd.s32 $0x4E20, v1  }
0x1f: {  	v0 =	vadd.s32 $0x7530, v0  }
0x20: {  	s15 =	simm.s32 $0x0  }
0x21: {  	v1 =	vld.idx.msk [tilespmem:v1+s15+$0x0], $0xffff  }
0x22: {  	v2 =	vld.idx.msk [tilespmem:v2+s15+$0x0], $0xffff  }
0x23: {  	v3 =	vld.idx.msk [tilespmem:v3+s15+$0x0], $0xffff  }
0x24: {  	v0 =	vld.idx.msk [tilespmem:v0+s15+$0x0], $0xffff;
	_ =	sdelay $0x3  }
0x25: {  	v1 =	vmul.f32 v2, v1  }
0x26: {  	v0 =	vmul.f32 v0, v3  }
0x27: {  	v1 =	vadd.f32 $1.000000000e+00, v1  }
0x28: {  	v0 =	vadd.f32 $1.000000000e+00, v0  }
0x29: {  	(erf) = vrcp.f32 v1  }
0x2a: {  	(erf) = vrcp.f32 v0;
	_ =	sdelay $0x7  }
0x2b: {  	v34 =	vpop (erf)  }
0x2c: {  	v35 =	vpop (erf);
	v36 =	vsub.f32 $0.0e+00, v34  }
0x2d: {  	[tilespmem:s18+$0xFFFFFE00] =	vst v34;
	v37 =	vsub.f32 $0.0e+00, v35  }
0x2e: {  	[tilespmem:s18+$0xFFFFFE80] =	vst v36  }
0x2f: {  	[tilespmem:s17+$0xFFFFFE00] =	vst v37  }
0x30: {  	[tilespmem:s17+$0xFFFFFE80] =	vst v35  }
0x31: {  	v0 =	vld [tilespmem:s19+$0xFFFFFF10]  }
0x32: {  	v1 =	vld [tilespmem:s20+$0xFFFFFF10];
	_ =	sdelay $0x3  }
0x33: {  	v38 =	vadd.s32 $0x2710, v0  }
0x34: {  	v39 =	vadd.s32 $0x4E20, v1  }
0x35: {  	v0 =	vadd.s32 $0x7530, v0;
	_ =	sdelay $0x1  }
0x36: {  	v1 =	vld.idx.msk [tilespmem:v1+s15+$0x0], $0xffff  }
0x37: {  	v2 =	vld.idx.msk [tilespmem:v38+s15+$0x0], $0xffff  }
0x38: {  	v3 =	vld.idx.msk [tilespmem:v39+s15+$0x0], $0xffff  }
0x39: {  	v0 =	vld.idx.msk [tilespmem:v0+s15+$0x0], $0xffff;
	_ =	sdelay $0x3  }
0x3a: {  	v1 =	vmul.f32 v2, v1  }
0x3b: {  	v0 =	vmul.f32 v0, v3  }
0x3c: {  	v1 =	vadd.f32 $1.000000000e+00, v1  }
0x3d: {  	v0 =	vadd.f32 $1.000000000e+00, v0  }
0x3e: {  	(erf) = vrcp.f32 v1  }
0x3f: {  	(erf) = vrcp.f32 v0;
	_ =	sdelay $0x7  }
0x40: {  	v40 =	vpop (erf)  }
0x41: {  	v41 =	vpop (erf);
	v42 =	vsub.f32 $0.0e+00, v40  }
0x42: {  	[tilespmem:s18+$0xFFFFFE10] =	vst v40;
	v43 =	vsub.f32 $0.0e+00, v41  }
0x43: {  	[tilespmem:s18+$0xFFFFFE90] =	vst v42  }
0x44: {  	[tilespmem:s17+$0xFFFFFE10] =	vst v43  }
0x45: {  	[tilespmem:s17+$0xFFFFFE90] =	vst v41  }
0x46: {  	v0 =	vld [tilespmem:s19+$0xFFFFFF20]  }
0x47: {  	v1 =	vld [tilespmem:s20+$0xFFFFFF20];
	_ =	sdelay $0x3  }
0x48: {  	v44 =	vadd.s32 $0x2710, v0  }
0x49: {  	v45 =	vadd.s32 $0x4E20, v1  }
0x4a: {  	v0 =	vadd.s32 $0x7530, v0;
	_ =	sdelay $0x1  }
0x4b: {  	v1 =	vld.idx.msk [tilespmem:v1+s15+$0x0], $0xffff  }
0x4c: {  	v2 =	vld.idx.msk [tilespmem:v44+s15+$0x0], $0xffff  }
0x4d: {  	v3 =	vld.idx.msk [tilespmem:v45+s15+$0x0], $0xffff  }
0x4e: {  	v0 =	vld.idx.msk [tilespmem:v0+s15+$0x0], $0xffff;
	_ =	sdelay $0x3  }
0x4f: {  	v1 =	vmul.f32 v2, v1  }
0x50: {  	v0 =	vmul.f32 v0, v3  }
0x51: {  	v1 =	vadd.f32 $1.000000000e+00, v1  }
0x52: {  	v0 =	vadd.f32 $1.000000000e+00, v0  }
0x53: {  	(erf) = vrcp.f32 v1  }
0x54: {  	(erf) = vrcp.f32 v0;
	_ =	sdelay $0x7  }
0x55: {  	v46 =	vpop (erf)  }
0x56: {  	v47 =	vpop (erf);
	v48 =	vsub.f32 $0.0e+00, v46  }
0x57: {  	[tilespmem:s18+$0xFFFFFE20] =	vst v46;
	v49 =	vsub.f32 $0.0e+00, v47  }
0x58: {  	[tilespmem:s18+$0xFFFFFEA0] =	vst v48  }
0x59: {  	[tilespmem:s17+$0xFFFFFE20] =	vst v49  }
0x5a: {  	[tilespmem:s17+$0xFFFFFEA0] =	vst v47  }
0x5b: {  	v0 =	vld [tilespmem:s19+$0xFFFFFF30]  }
0x5c: {  	v1 =	vld [tilespmem:s20+$0xFFFFFF30];
	_ =	sdelay $0x3  }
0x5d: {  	v50 =	vadd.s32 $0x2710, v0  }
0x5e: {  	v51 =	vadd.s32 $0x4E20, v1  }
0x5f: {  	v0 =	vadd.s32 $0x7530, v0;
	_ =	sdelay $0x1  }
0x60: {  	v1 =	vld.idx.msk [tilespmem:v1+s15+$0x0], $0xffff  }
0x61: {  	v2 =	vld.idx.msk [tilespmem:v50+s15+$0x0], $0xffff  }
0x62: {  	v3 =	vld.idx.msk [tilespmem:v51+s15+$0x0], $0xffff  }
0x63: {  	v0 =	vld.idx.msk [tilespmem:v0+s15+$0x0], $0xffff;
	_ =	sdelay $0x3  }
0x64: {  	v1 =	vmul.f32 v2, v1  }
0x65: {  	v0 =	vmul.f32 v0, v3  }
0x66: {  	v1 =	vadd.f32 $1.000000000e+00, v1  }
0x67: {  	v0 =	vadd.f32 $1.000000000e+00, v0  }
0x68: {  	(erf) = vrcp.f32 v1  }
0x69: {  	(erf) = vrcp.f32 v0;
	_ =	sdelay $0x7  }
0x6a: {  	v52 =	vpop (erf)  }
0x6b: {  	v53 =	vpop (erf);
	v54 =	vsub.f32 $0.0e+00, v52  }
0x6c: {  	[tilespmem:s18+$0xFFFFFE30] =	vst v52;
	v55 =	vsub.f32 $0.0e+00, v53  }
0x6d: {  	[tilespmem:s18+$0xFFFFFEB0] =	vst v54  }
0x6e: {  	[tilespmem:s17+$0xFFFFFE30] =	vst v55  }
0x6f: {  	[tilespmem:s17+$0xFFFFFEB0] =	vst v53  }
0x70: {  	v0 =	vld [tilespmem:s19+$0xFFFFFF40]  }
0x71: {  	v1 =	vld [tilespmem:s20+$0xFFFFFF40];
	_ =	sdelay $0x3  }
0x72: {  	v56 =	vadd.s32 $0x2710, v0  }
0x73: {  	v57 =	vadd.s32 $0x4E20, v1  }
0x74: {  	v0 =	vadd.s32 $0x7530, v0;
	_ =	sdelay $0x1  }
0x75: {  	v1 =	vld.idx.msk [tilespmem:v1+s15+$0x0], $0xffff  }
0x76: {  	v2 =	vld.idx.msk [tilespmem:v56+s15+$0x0], $0xffff  }
0x77: {  	v3 =	vld.idx.msk [tilespmem:v57+s15+$0x0], $0xffff  }
0x78: {  	v0 =	vld.idx.msk [tilespmem:v0+s15+$0x0], $0xffff;
	_ =	sdelay $0x3  }
0x79: {  	v1 =	vmul.f32 v2, v1  }
0x7a: {  	v0 =	vmul.f32 v0, v3  }
0x7b: {  	v1 =	vadd.f32 $1.000000000e+00, v1  }
0x7c: {  	v0 =	vadd.f32 $1.000000000e+00, v0  }
0x7d: {  	(erf) = vrcp.f32 v1  }
0x7e: {  	(erf) = vrcp.f32 v0;
	_ =	sdelay $0x7  }
0x7f: {  	v58 =	vpop (erf)  }
0x80: {  	v59 =	vpop (erf);
	v60 =	vsub.f32 $0.0e+00, v58  }
0x81: {  	[tilespmem:s18+$0xFFFFFE40] =	vst v58;
	v61 =	vsub.f32 $0.0e+00, v59  }
0x82: {  	[tilespmem:s18+$0xFFFFFEC0] =	vst v60  }
0x83: {  	[tilespmem:s17+$0xFFFFFE40] =	vst v61  }
0x84: {  	[tilespmem:s17+$0xFFFFFEC0] =	vst v59  }
0x85: {  	v0 =	vld [tilespmem:s19+$0xFFFFFF50]  }
0x86: {  	v1 =	vld [tilespmem:s20+$0xFFFFFF50];
	_ =	sdelay $0x3  }
0x87: {  	v62 =	vadd.s32 $0x2710, v0  }
0x88: {  	v63 =	vadd.s32 $0x4E20, v1  }
0x89: {  	v0 =	vadd.s32 $0x7530, v0;
	_ =	sdelay $0x1  }
0x8a: {  	v1 =	vld.idx.msk [tilespmem:v1+s15+$0x0], $0xffff  }
0x8b: {  	v2 =	vld.idx.msk [tilespmem:v62+s15+$0x0], $0xffff  }
0x8c: {  	v3 =	vld.idx.msk [tilespmem:v63+s15+$0x0], $0xffff  }
0x8d: {  	v0 =	vld.idx.msk [tilespmem:v0+s15+$0x0], $0xffff;
	_ =	sdelay $0x3  }
0x8e: {  	v1 =	vmul.f32 v2, v1  }
0x8f: {  	v0 =	vmul.f32 v0, v3  }
0x90: {  	v1 =	vadd.f32 $1.000000000e+00, v1  }
0x91: {  	v0 =	vadd.f32 $1.000000000e+00, v0  }
0x92: {  	(erf) = vrcp.f32 v1  }
0x93: {  	(erf) = vrcp.f32 v0;
	_ =	sdelay $0x7  }
0x94: {  	v5 =	vpop (erf)  }
0x95: {  	v6 =	vpop (erf);
	v7 =	vsub.f32 $0.0e+00, v5  }
0x96: {  	[tilespmem:s18+$0xFFFFFE50] =	vst v5;
	v8 =	vsub.f32 $0.0e+00, v6  }
0x97: {  	[tilespmem:s18+$0xFFFFFED0] =	vst v7  }
0x98: {  	[tilespmem:s17+$0xFFFFFE50] =	vst v8  }
0x99: {  	[tilespmem:s17+$0xFFFFFED0] =	vst v6  }
0x9a: {  	v0 =	vld [tilespmem:s19+$0xFFFFFF60]  }
0x9b: {  	v1 =	vld [tilespmem:s20+$0xFFFFFF60];
	_ =	sdelay $0x3  }
0x9c: {  	v9 =	vadd.s32 $0x2710, v0  }
0x9d: {  	v10 =	vadd.s32 $0x4E20, v1  }
0x9e: {  	v0 =	vadd.s32 $0x7530, v0;
	_ =	sdelay $0x1  }
0x9f: {  	v1 =	vld.idx.msk [tilespmem:v1+s15+$0x0], $0xffff  }
0xa0: {  	v2 =	vld.idx.msk [tilespmem:v9+s15+$0x0], $0xffff  }
0xa1: {  	v3 =	vld.idx.msk [tilespmem:v10+s15+$0x0], $0xffff  }
0xa2: {  	v0 =	vld.idx.msk [tilespmem:v0+s15+$0x0], $0xffff;
	_ =	sdelay $0x3  }
0xa3: {  	v1 =	vmul.f32 v2, v1  }
0xa4: {  	v0 =	vmul.f32 v0, v3  }
0xa5: {  	v1 =	vadd.f32 $1.000000000e+00, v1  }
0xa6: {  	v0 =	vadd.f32 $1.000000000e+00, v0  }
0xa7: {  	(erf) = vrcp.f32 v1  }
0xa8: {  	(erf) = vrcp.f32 v0;
	_ =	sdelay $0x7  }
0xa9: {  	v11 =	vpop (erf)  }
0xaa: {  	v12 =	vpop (erf);
	v13 =	vsub.f32 $0.0e+00, v11  }
0xab: {  	[tilespmem:s18+$0xFFFFFE60] =	vst v11;
	v14 =	vsub.f32 $0.0e+00, v12  }
0xac: {  	[tilespmem:s18+$0xFFFFFEE0] =	vst v13  }
0xad: {  	v4 =	vld [tilespmem:s20+$0xFFFFFF80];
	[tilespmem:s17+$0xFFFFFE60] =	vst v14  }
0xae: {  	[tilespmem:s17+$0xFFFFFEE0] =	vst v12  }
0xaf: {  	v0 =	vld [tilespmem:s19+$0xFFFFFF70]  }
0xb0: {  	v1 =	vld [tilespmem:s20+$0xFFFFFF70];
	_ =	sdelay $0x1  }
0xb1: {  	v15 =	vld [tilespmem:s19+$0xFFFFFF80];
	v7 =	vadd.s32 $0x4E20, v4;
	_ =	sdelay $0x1  }
0xb2: {  	v16 =	vadd.s32 $0x2710, v0  }
0xb3: {  	v5 =	vadd.s32 $0x4E20, v1  }
0xb4: {  	v4 =	vld.idx.msk [tilespmem:v4+s15+$0x0], $0xffff;
	v0 =	vadd.s32 $0x7530, v0  }
0xb5: {  	v6 =	vadd.s32 $0x2710, v15;
	v7 =	vld.idx.msk [tilespmem:v7+s15+$0x0], $0xffff  }
0xb6: {  	v2 =	vadd.s32 $0x7530, v15;
	v1 =	vld.idx.msk [tilespmem:v1+s15+$0x0], $0xffff  }
0xb7: {  	v3 =	vld.idx.msk [tilespmem:v16+s15+$0x0], $0xffff  }
0xb8: {  	v5 =	vld.idx.msk [tilespmem:v5+s15+$0x0], $0xffff  }
0xb9: {  	v0 =	vld.idx.msk [tilespmem:v0+s15+$0x0], $0xffff  }
0xba: {  	v6 =	vld.idx.msk [tilespmem:v6+s15+$0x0], $0xffff  }
0xbb: {  	v2 =	vld.idx.msk [tilespmem:v2+s15+$0x0], $0xffff;
	_ =	sdelay $0x1  }
0xbc: {  	v1 =	vmul.f32 v3, v1  }
0xbd: {  	v0 =	vmul.f32 v0, v5  }
0xbe: {  	v17 =	vmul.f32 v6, v4;
	v1 =	vadd.f32 $1.000000000e+00, v1  }
0xbf: {  	v2 =	vmul.f32 v2, v7;
	v0 =	vadd.f32 $1.000000000e+00, v0  }
0xc0: {  	v18 =	vadd.f32 $1.000000000e+00, v17;
	(erf) = vrcp.f32 v1  }
0xc1: {  	v19 =	vadd.f32 $1.000000000e+00, v2;
	(erf) = vrcp.f32 v0  }
0xc2: {  	(erf) = vrcp.f32 v18  }
0xc3: {  	(erf) = vrcp.f32 v19;
	_ =	sdelay $0x5  }
0xc4: {  	v1 =	vpop (erf)  }
0xc5: {  	v0 =	vpop (erf)  }
0xc6: {  	v20 =	vpop (erf)  }
0xc7: {  	v21 =	vpop (erf);
	v22 =	vsub.f32 $0.0e+00, v20  }
0xc8: {  	[tilespmem:s18+$0xFFFFFF00] =	vst v20;
	v23 =	vsub.f32 $0.0e+00, v21  }
0xc9: {  	[tilespmem:s18+$0xFFFFFF80] =	vst v22  }
0xca: {  	[tilespmem:s17+$0xFFFFFF00] =	vst v23  }
0xcb: {  	[tilespmem:s17+$0xFFFFFF80] =	vst v21  }
0xcc: {  	v2 =	vld [tilespmem:s19+$0xFFFFFF90]  }
0xcd: {  	v3 =	vld [tilespmem:s20+$0xFFFFFF90];
	_ =	sdelay $0x3  }
0xce: {  	v24 =	vadd.s32 $0x2710, v2  }
0xcf: {  	v25 =	vadd.s32 $0x4E20, v3  }
0xd0: {  	v2 =	vadd.s32 $0x7530, v2;
	_ =	sdelay $0x1  }
0xd1: {  	v3 =	vld.idx.msk [tilespmem:v3+s15+$0x0], $0xffff  }
0xd2: {  	v4 =	vld.idx.msk [tilespmem:v24+s15+$0x0], $0xffff  }
0xd3: {  	v5 =	vld.idx.msk [tilespmem:v25+s15+$0x0], $0xffff  }
0xd4: {  	v2 =	vld.idx.msk [tilespmem:v2+s15+$0x0], $0xffff;
	_ =	sdelay $0x3  }
0xd5: {  	v3 =	vmul.f32 v4, v3  }
0xd6: {  	v2 =	vmul.f32 v2, v5  }
0xd7: {  	v3 =	vadd.f32 $1.000000000e+00, v3  }
0xd8: {  	v2 =	vadd.f32 $1.000000000e+00, v2  }
0xd9: {  	(erf) = vrcp.f32 v3  }
0xda: {  	(erf) = vrcp.f32 v2;
	_ =	sdelay $0x7  }
0xdb: {  	v26 =	vpop (erf)  }
0xdc: {  	v27 =	vpop (erf);
	v28 =	vsub.f32 $0.0e+00, v26  }
0xdd: {  	[tilespmem:s18+$0xFFFFFF10] =	vst v26;
	v29 =	vsub.f32 $0.0e+00, v27  }
0xde: {  	[tilespmem:s18+$0xFFFFFF90] =	vst v28  }
0xdf: {  	[tilespmem:s17+$0xFFFFFF10] =	vst v29  }
0xe0: {  	[tilespmem:s17+$0xFFFFFF90] =	vst v27  }
0xe1: {  	v2 =	vld [tilespmem:s19+$0xFFFFFFA0]  }
0xe2: {  	v3 =	vld [tilespmem:s20+$0xFFFFFFA0];
	_ =	sdelay $0x3  }
0xe3: {  	v30 =	vadd.s32 $0x2710, v2  }
0xe4: {  	v31 =	vadd.s32 $0x4E20, v3  }
0xe5: {  	v2 =	vadd.s32 $0x7530, v2;
	_ =	sdelay $0x1  }
0xe6: {  	v3 =	vld.idx.msk [tilespmem:v3+s15+$0x0], $0xffff  }
0xe7: {  	v4 =	vld.idx.msk [tilespmem:v30+s15+$0x0], $0xffff  }
0xe8: {  	v5 =	vld.idx.msk [tilespmem:v31+s15+$0x0], $0xffff  }
0xe9: {  	v2 =	vld.idx.msk [tilespmem:v2+s15+$0x0], $0xffff;
	_ =	sdelay $0x3  }
0xea: {  	v3 =	vmul.f32 v4, v3  }
0xeb: {  	v2 =	vmul.f32 v2, v5  }
0xec: {  	v3 =	vadd.f32 $1.000000000e+00, v3  }
0xed: {  	v2 =	vadd.f32 $1.000000000e+00, v2  }
0xee: {  	(erf) = vrcp.f32 v3  }
0xef: {  	(erf) = vrcp.f32 v2;
	_ =	sdelay $0x7  }
0xf0: {  	v32 =	vpop (erf)  }
0xf1: {  	v33 =	vpop (erf);
	v34 =	vsub.f32 $0.0e+00, v32  }
0xf2: {  	[tilespmem:s18+$0xFFFFFF20] =	vst v32;
	v35 =	vsub.f32 $0.0e+00, v33  }
0xf3: {  	[tilespmem:s18+$0xFFFFFFA0] =	vst v34  }
0xf4: {  	[tilespmem:s17+$0xFFFFFF20] =	vst v35  }
0xf5: {  	[tilespmem:s17+$0xFFFFFFA0] =	vst v33  }
0xf6: {  	v2 =	vld [tilespmem:s19+$0xFFFFFFB0]  }
0xf7: {  	v3 =	vld [tilespmem:s20+$0xFFFFFFB0];
	_ =	sdelay $0x3  }
0xf8: {  	v36 =	vadd.s32 $0x2710, v2  }
0xf9: {  	v37 =	vadd.s32 $0x4E20, v3  }
0xfa: {  	v2 =	vadd.s32 $0x7530, v2;
	_ =	sdelay $0x1  }
0xfb: {  	v3 =	vld.idx.msk [tilespmem:v3+s15+$0x0], $0xffff  }
0xfc: {  	v4 =	vld.idx.msk [tilespmem:v36+s15+$0x0], $0xffff  }
0xfd: {  	v5 =	vld.idx.msk [tilespmem:v37+s15+$0x0], $0xffff  }
0xfe: {  	v2 =	vld.idx.msk [tilespmem:v2+s15+$0x0], $0xffff;
	_ =	sdelay $0x3  }
0xff: {  	v3 =	vmul.f32 v4, v3  }
0x100: {  	v2 =	vmul.f32 v2, v5  }
0x101: {  	v3 =	vadd.f32 $1.000000000e+00, v3  }
0x102: {  	v2 =	vadd.f32 $1.000000000e+00, v2  }
0x103: {  	(erf) = vrcp.f32 v3  }
0x104: {  	(erf) = vrcp.f32 v2;
	_ =	sdelay $0x7  }
0x105: {  	v38 =	vpop (erf)  }
0x106: {  	v39 =	vpop (erf);
	v40 =	vsub.f32 $0.0e+00, v38  }
0x107: {  	[tilespmem:s18+$0xFFFFFF30] =	vst v38;
	v41 =	vsub.f32 $0.0e+00, v39  }
0x108: {  	[tilespmem:s18+$0xFFFFFFB0] =	vst v40  }
0x109: {  	[tilespmem:s17+$0xFFFFFF30] =	vst v41  }
0x10a: {  	[tilespmem:s17+$0xFFFFFFB0] =	vst v39  }
0x10b: {  	v2 =	vld [tilespmem:s19+$0xFFFFFFC0]  }
0x10c: {  	v3 =	vld [tilespmem:s20+$0xFFFFFFC0];
	_ =	sdelay $0x3  }
0x10d: {  	v42 =	vadd.s32 $0x2710, v2  }
0x10e: {  	v43 =	vadd.s32 $0x4E20, v3  }
0x10f: {  	v2 =	vadd.s32 $0x7530, v2;
	_ =	sdelay $0x1  }
0x110: {  	v3 =	vld.idx.msk [tilespmem:v3+s15+$0x0], $0xffff  }
0x111: {  	v4 =	vld.idx.msk [tilespmem:v42+s15+$0x0], $0xffff  }
0x112: {  	v5 =	vld.idx.msk [tilespmem:v43+s15+$0x0], $0xffff  }
0x113: {  	v2 =	vld.idx.msk [tilespmem:v2+s15+$0x0], $0xffff;
	_ =	sdelay $0x3  }
0x114: {  	v3 =	vmul.f32 v4, v3  }
0x115: {  	v2 =	vmul.f32 v2, v5  }
0x116: {  	v3 =	vadd.f32 $1.000000000e+00, v3  }
0x117: {  	v2 =	vadd.f32 $1.000000000e+00, v2  }
0x118: {  	(erf) = vrcp.f32 v3  }
0x119: {  	(erf) = vrcp.f32 v2;
	_ =	sdelay $0x7  }
0x11a: {  	v44 =	vpop (erf)  }
0x11b: {  	v45 =	vpop (erf);
	v46 =	vsub.f32 $0.0e+00, v44  }
0x11c: {  	[tilespmem:s18+$0xFFFFFF40] =	vst v44;
	v47 =	vsub.f32 $0.0e+00, v45  }
0x11d: {  	[tilespmem:s18+$0xFFFFFFC0] =	vst v46  }
0x11e: {  	[tilespmem:s17+$0xFFFFFF40] =	vst v47  }
0x11f: {  	[tilespmem:s17+$0xFFFFFFC0] =	vst v45  }
0x120: {  	v2 =	vld [tilespmem:s19+$0xFFFFFFD0]  }
0x121: {  	v3 =	vld [tilespmem:s20+$0xFFFFFFD0];
	_ =	sdelay $0x3  }
0x122: {  	v48 =	vadd.s32 $0x2710, v2  }
0x123: {  	v49 =	vadd.s32 $0x4E20, v3  }
0x124: {  	v2 =	vadd.s32 $0x7530, v2;
	_ =	sdelay $0x1  }
0x125: {  	v3 =	vld.idx.msk [tilespmem:v3+s15+$0x0], $0xffff  }
0x126: {  	v4 =	vld.idx.msk [tilespmem:v48+s15+$0x0], $0xffff  }
0x127: {  	v5 =	vld.idx.msk [tilespmem:v49+s15+$0x0], $0xffff  }
0x128: {  	v2 =	vld.idx.msk [tilespmem:v2+s15+$0x0], $0xffff;
	_ =	sdelay $0x3  }
0x129: {  	v3 =	vmul.f32 v4, v3  }
0x12a: {  	v2 =	vmul.f32 v2, v5  }
0x12b: {  	v3 =	vadd.f32 $1.000000000e+00, v3  }
0x12c: {  	v2 =	vadd.f32 $1.000000000e+00, v2  }
0x12d: {  	(erf) = vrcp.f32 v3  }
0x12e: {  	(erf) = vrcp.f32 v2;
	_ =	sdelay $0x7  }
0x12f: {  	v50 =	vpop (erf)  }
0x130: {  	v51 =	vpop (erf);
	v52 =	vsub.f32 $0.0e+00, v50  }
0x131: {  	[tilespmem:s18+$0xFFFFFF50] =	vst v50;
	v53 =	vsub.f32 $0.0e+00, v51  }
0x132: {  	[tilespmem:s18+$0xFFFFFFD0] =	vst v52  }
0x133: {  	[tilespmem:s17+$0xFFFFFF50] =	vst v53  }
0x134: {  	[tilespmem:s17+$0xFFFFFFD0] =	vst v51  }
0x135: {  	v2 =	vld [tilespmem:s19+$0xFFFFFFE0]  }
0x136: {  	v3 =	vld [tilespmem:s20+$0xFFFFFFE0];
	_ =	sdelay $0x3  }
0x137: {  	v54 =	vadd.s32 $0x2710, v2  }
0x138: {  	v55 =	vadd.s32 $0x4E20, v3  }
0x139: {  	v2 =	vadd.s32 $0x7530, v2;
	_ =	sdelay $0x1  }
0x13a: {  	v3 =	vld.idx.msk [tilespmem:v3+s15+$0x0], $0xffff  }
0x13b: {  	v4 =	vld.idx.msk [tilespmem:v54+s15+$0x0], $0xffff  }
0x13c: {  	v5 =	vld.idx.msk [tilespmem:v55+s15+$0x0], $0xffff  }
0x13d: {  	v2 =	vld.idx.msk [tilespmem:v2+s15+$0x0], $0xffff;
	_ =	sdelay $0x3  }
0x13e: {  	v3 =	vmul.f32 v4, v3  }
0x13f: {  	v2 =	vmul.f32 v2, v5  }
0x140: {  	v3 =	vadd.f32 $1.000000000e+00, v3  }
0x141: {  	v2 =	vadd.f32 $1.000000000e+00, v2  }
0x142: {  	(erf) = vrcp.f32 v3  }
0x143: {  	(erf) = vrcp.f32 v2;
	_ =	sdelay $0x7  }
0x144: {  	v56 =	vpop (erf)  }
0x145: {  	v57 =	vpop (erf);
	v58 =	vsub.f32 $0.0e+00, v56  }
0x146: {  	[tilespmem:s18+$0xFFFFFF60] =	vst v56;
	v59 =	vsub.f32 $0.0e+00, v57  }
0x147: {  	v60 =	vld [tilespmem:s19+$0x0];
	[tilespmem:s18+$0xFFFFFFE0] =	vst v58  }
0x148: {  	[tilespmem:s17+$0xFFFFFF60] =	vst v59  }
0x149: {  	v62 =	vld [tilespmem:s20+$0x0];
	[tilespmem:s17+$0xFFFFFFE0] =	vst v57  }
0x14a: {  	v2 =	vld [tilespmem:s19+$0xFFFFFFF0]  }
0x14b: {  	v3 =	vld [tilespmem:s20+$0xFFFFFFF0]  }
0x14c: {  	v8 =	vadd.s32 $0x2710, v60;
	_ =	sdelay $0x2  }
0x14d: {  	v61 =	vadd.s32 $0x2710, v2  }
0x14e: {  	v63 =	vadd.s32 $0x4E20, v3  }
0x14f: {  	v8 =	vld.idx.msk [tilespmem:v8+s15+$0x0], $0xffff;
	v2 =	vadd.s32 $0x7530, v2  }
0x150: {  	v6 =	vld.idx.msk [tilespmem:v62+s15+$0x0], $0xffff;
	v9 =	vadd.s32 $0x4E20, v62  }
0x151: {  	v4 =	vadd.s32 $0x7530, v60;
	v3 =	vld.idx.msk [tilespmem:v3+s15+$0x0], $0xffff  }
0x152: {  	v5 =	vld.idx.msk [tilespmem:v61+s15+$0x0], $0xffff  }
0x153: {  	v7 =	vld.idx.msk [tilespmem:v63+s15+$0x0], $0xffff  }
0x154: {  	v2 =	vld.idx.msk [tilespmem:v2+s15+$0x0], $0xffff  }
0x155: {  	v9 =	vld.idx.msk [tilespmem:v9+s15+$0x0], $0xffff  }
0x156: {  	v4 =	vld.idx.msk [tilespmem:v4+s15+$0x0], $0xffff;
	_ =	sdelay $0x1  }
0x157: {  	v3 =	vmul.f32 v5, v3  }
0x158: {  	v2 =	vmul.f32 v2, v7  }
0x159: {  	v12 =	vmul.f32 v8, v6;
	v3 =	vadd.f32 $1.000000000e+00, v3  }
0x15a: {  	v4 =	vmul.f32 v4, v9;
	v2 =	vadd.f32 $1.000000000e+00, v2  }
0x15b: {  	v13 =	vadd.f32 $1.000000000e+00, v12;
	(erf) = vrcp.f32 v3  }
0x15c: {  	v14 =	vadd.f32 $1.000000000e+00, v4;
	(erf) = vrcp.f32 v2  }
0x15d: {  	(erf) = vrcp.f32 v13  }
0x15e: {  	(erf) = vrcp.f32 v14;
	_ =	sdelay $0x5  }
0x15f: {  	v3 =	vpop (erf)  }
0x160: {  	v2 =	vpop (erf)  }
0x161: {  	v15 =	vpop (erf)  }
0x162: {  	v16 =	vpop (erf);
	v17 =	vsub.f32 $0.0e+00, v15  }
0x163: {  	[tilespmem:s18+$0x0] =	vst v15;
	v18 =	vsub.f32 $0.0e+00, v16  }
0x164: {  	[tilespmem:s18+$0x80] =	vst v17  }
0x165: {  	[tilespmem:s17+$0x0] =	vst v18  }
0x166: {  	[tilespmem:s17+$0x80] =	vst v16  }
0x167: {  	v4 =	vld [tilespmem:s19+$0x10]  }
0x168: {  	v5 =	vld [tilespmem:s20+$0x10];
	_ =	sdelay $0x3  }
0x169: {  	v19 =	vadd.s32 $0x2710, v4  }
0x16a: {  	v20 =	vadd.s32 $0x4E20, v5  }
0x16b: {  	v4 =	vadd.s32 $0x7530, v4;
	_ =	sdelay $0x1  }
0x16c: {  	v5 =	vld.idx.msk [tilespmem:v5+s15+$0x0], $0xffff  }
0x16d: {  	v6 =	vld.idx.msk [tilespmem:v19+s15+$0x0], $0xffff  }
0x16e: {  	v7 =	vld.idx.msk [tilespmem:v20+s15+$0x0], $0xffff  }
0x16f: {  	v4 =	vld.idx.msk [tilespmem:v4+s15+$0x0], $0xffff;
	_ =	sdelay $0x3  }
0x170: {  	v5 =	vmul.f32 v6, v5  }
0x171: {  	v4 =	vmul.f32 v4, v7  }
0x172: {  	v5 =	vadd.f32 $1.000000000e+00, v5  }
0x173: {  	v4 =	vadd.f32 $1.000000000e+00, v4  }
0x174: {  	(erf) = vrcp.f32 v5  }
0x175: {  	(erf) = vrcp.f32 v4;
	_ =	sdelay $0x7  }
0x176: {  	v21 =	vpop (erf)  }
0x177: {  	v22 =	vpop (erf);
	v23 =	vsub.f32 $0.0e+00, v21  }
0x178: {  	[tilespmem:s18+$0x10] =	vst v21;
	v24 =	vsub.f32 $0.0e+00, v22  }
0x179: {  	[tilespmem:s18+$0x90] =	vst v23  }
0x17a: {  	[tilespmem:s17+$0x10] =	vst v24  }
0x17b: {  	[tilespmem:s17+$0x90] =	vst v22  }
0x17c: {  	v4 =	vld [tilespmem:s19+$0x20]  }
0x17d: {  	v5 =	vld [tilespmem:s20+$0x20];
	_ =	sdelay $0x3  }
0x17e: {  	v25 =	vadd.s32 $0x2710, v4  }
0x17f: {  	v26 =	vadd.s32 $0x4E20, v5  }
0x180: {  	v4 =	vadd.s32 $0x7530, v4;
	_ =	sdelay $0x1  }
0x181: {  	v5 =	vld.idx.msk [tilespmem:v5+s15+$0x0], $0xffff  }
0x182: {  	v6 =	vld.idx.msk [tilespmem:v25+s15+$0x0], $0xffff  }
0x183: {  	v7 =	vld.idx.msk [tilespmem:v26+s15+$0x0], $0xffff  }
0x184: {  	v4 =	vld.idx.msk [tilespmem:v4+s15+$0x0], $0xffff;
	_ =	sdelay $0x3  }
0x185: {  	v5 =	vmul.f32 v6, v5  }
0x186: {  	v4 =	vmul.f32 v4, v7  }
0x187: {  	v5 =	vadd.f32 $1.000000000e+00, v5  }
0x188: {  	v4 =	vadd.f32 $1.000000000e+00, v4  }
0x189: {  	(erf) = vrcp.f32 v5  }
0x18a: {  	(erf) = vrcp.f32 v4;
	_ =	sdelay $0x7  }
0x18b: {  	v27 =	vpop (erf)  }
0x18c: {  	v28 =	vpop (erf);
	v29 =	vsub.f32 $0.0e+00, v27  }
0x18d: {  	[tilespmem:s18+$0x20] =	vst v27;
	v30 =	vsub.f32 $0.0e+00, v28  }
0x18e: {  	[tilespmem:s18+$0xA0] =	vst v29  }
0x18f: {  	[tilespmem:s17+$0x20] =	vst v30  }
0x190: {  	[tilespmem:s17+$0xA0] =	vst v28  }
0x191: {  	v4 =	vld [tilespmem:s19+$0x30]  }
0x192: {  	v5 =	vld [tilespmem:s20+$0x30];
	_ =	sdelay $0x3  }
0x193: {  	v31 =	vadd.s32 $0x2710, v4  }
0x194: {  	v32 =	vadd.s32 $0x4E20, v5  }
0x195: {  	v4 =	vadd.s32 $0x7530, v4;
	_ =	sdelay $0x1  }
0x196: {  	v5 =	vld.idx.msk [tilespmem:v5+s15+$0x0], $0xffff  }
0x197: {  	v6 =	vld.idx.msk [tilespmem:v31+s15+$0x0], $0xffff  }
0x198: {  	v7 =	vld.idx.msk [tilespmem:v32+s15+$0x0], $0xffff  }
0x199: {  	v4 =	vld.idx.msk [tilespmem:v4+s15+$0x0], $0xffff;
	_ =	sdelay $0x3  }
0x19a: {  	v5 =	vmul.f32 v6, v5  }
0x19b: {  	v4 =	vmul.f32 v4, v7  }
0x19c: {  	v5 =	vadd.f32 $1.000000000e+00, v5  }
0x19d: {  	v4 =	vadd.f32 $1.000000000e+00, v4  }
0x19e: {  	(erf) = vrcp.f32 v5  }
0x19f: {  	(erf) = vrcp.f32 v4;
	_ =	sdelay $0x7  }
0x1a0: {  	v33 =	vpop (erf)  }
0x1a1: {  	v34 =	vpop (erf);
	v35 =	vsub.f32 $0.0e+00, v33  }
0x1a2: {  	[tilespmem:s18+$0x30] =	vst v33;
	v36 =	vsub.f32 $0.0e+00, v34  }
0x1a3: {  	[tilespmem:s18+$0xB0] =	vst v35  }
0x1a4: {  	[tilespmem:s17+$0x30] =	vst v36  }
0x1a5: {  	[tilespmem:s17+$0xB0] =	vst v34  }
0x1a6: {  	v4 =	vld [tilespmem:s19+$0x40]  }
0x1a7: {  	v5 =	vld [tilespmem:s20+$0x40];
	_ =	sdelay $0x3  }
0x1a8: {  	v37 =	vadd.s32 $0x2710, v4  }
0x1a9: {  	v38 =	vadd.s32 $0x4E20, v5  }
0x1aa: {  	v4 =	vadd.s32 $0x7530, v4;
	_ =	sdelay $0x1  }
0x1ab: {  	v5 =	vld.idx.msk [tilespmem:v5+s15+$0x0], $0xffff  }
0x1ac: {  	v6 =	vld.idx.msk [tilespmem:v37+s15+$0x0], $0xffff  }
0x1ad: {  	v7 =	vld.idx.msk [tilespmem:v38+s15+$0x0], $0xffff  }
0x1ae: {  	v4 =	vld.idx.msk [tilespmem:v4+s15+$0x0], $0xffff;
	_ =	sdelay $0x3  }
0x1af: {  	v5 =	vmul.f32 v6, v5  }
0x1b0: {  	v4 =	vmul.f32 v4, v7  }
0x1b1: {  	v5 =	vadd.f32 $1.000000000e+00, v5  }
0x1b2: {  	v4 =	vadd.f32 $1.000000000e+00, v4  }
0x1b3: {  	(erf) = vrcp.f32 v5  }
0x1b4: {  	(erf) = vrcp.f32 v4;
	_ =	sdelay $0x7  }
0x1b5: {  	v39 =	vpop (erf)  }
0x1b6: {  	v40 =	vpop (erf);
	v41 =	vsub.f32 $0.0e+00, v39  }
0x1b7: {  	[tilespmem:s18+$0x40] =	vst v39;
	v42 =	vsub.f32 $0.0e+00, v40  }
0x1b8: {  	[tilespmem:s18+$0xC0] =	vst v41  }
0x1b9: {  	[tilespmem:s17+$0x40] =	vst v42  }
0x1ba: {  	[tilespmem:s17+$0xC0] =	vst v40  }
0x1bb: {  	v4 =	vld [tilespmem:s19+$0x50]  }
0x1bc: {  	v5 =	vld [tilespmem:s20+$0x50];
	_ =	sdelay $0x3  }
0x1bd: {  	v43 =	vadd.s32 $0x2710, v4  }
0x1be: {  	v44 =	vadd.s32 $0x4E20, v5  }
0x1bf: {  	v4 =	vadd.s32 $0x7530, v4;
	_ =	sdelay $0x1  }
0x1c0: {  	v5 =	vld.idx.msk [tilespmem:v5+s15+$0x0], $0xffff  }
0x1c1: {  	v6 =	vld.idx.msk [tilespmem:v43+s15+$0x0], $0xffff  }
0x1c2: {  	v7 =	vld.idx.msk [tilespmem:v44+s15+$0x0], $0xffff  }
0x1c3: {  	v4 =	vld.idx.msk [tilespmem:v4+s15+$0x0], $0xffff;
	_ =	sdelay $0x3  }
0x1c4: {  	v5 =	vmul.f32 v6, v5  }
0x1c5: {  	v4 =	vmul.f32 v4, v7  }
0x1c6: {  	v5 =	vadd.f32 $1.000000000e+00, v5  }
0x1c7: {  	v4 =	vadd.f32 $1.000000000e+00, v4  }
0x1c8: {  	(erf) = vrcp.f32 v5  }
0x1c9: {  	(erf) = vrcp.f32 v4;
	_ =	sdelay $0x7  }
0x1ca: {  	v45 =	vpop (erf)  }
0x1cb: {  	v46 =	vpop (erf);
	v47 =	vsub.f32 $0.0e+00, v45  }
0x1cc: {  	[tilespmem:s18+$0x50] =	vst v45;
	v48 =	vsub.f32 $0.0e+00, v46  }
0x1cd: {  	[tilespmem:s18+$0xD0] =	vst v47  }
0x1ce: {  	[tilespmem:s17+$0x50] =	vst v48  }
0x1cf: {  	[tilespmem:s17+$0xD0] =	vst v46  }
0x1d0: {  	v4 =	vld [tilespmem:s19+$0x60]  }
0x1d1: {  	v5 =	vld [tilespmem:s20+$0x60];
	_ =	sdelay $0x3  }
0x1d2: {  	v49 =	vadd.s32 $0x2710, v4  }
0x1d3: {  	v50 =	vadd.s32 $0x4E20, v5  }
0x1d4: {  	v4 =	vadd.s32 $0x7530, v4;
	_ =	sdelay $0x1  }
0x1d5: {  	v5 =	vld.idx.msk [tilespmem:v5+s15+$0x0], $0xffff  }
0x1d6: {  	v6 =	vld.idx.msk [tilespmem:v49+s15+$0x0], $0xffff  }
0x1d7: {  	v7 =	vld.idx.msk [tilespmem:v50+s15+$0x0], $0xffff  }
0x1d8: {  	v4 =	vld.idx.msk [tilespmem:v4+s15+$0x0], $0xffff;
	_ =	sdelay $0x3  }
0x1d9: {  	v5 =	vmul.f32 v6, v5  }
0x1da: {  	v4 =	vmul.f32 v4, v7  }
0x1db: {  	v5 =	vadd.f32 $1.000000000e+00, v5  }
0x1dc: {  	v4 =	vadd.f32 $1.000000000e+00, v4  }
0x1dd: {  	(erf) = vrcp.f32 v5  }
0x1de: {  	(erf) = vrcp.f32 v4;
	_ =	sdelay $0x7  }
0x1df: {  	v51 =	vpop (erf)  }
0x1e0: {  	v52 =	vpop (erf);
	v53 =	vsub.f32 $0.0e+00, v51  }
0x1e1: {  	[tilespmem:s18+$0x60] =	vst v51;
	v54 =	vsub.f32 $0.0e+00, v52  }
0x1e2: {  	v55 =	vld [tilespmem:s19+$0x80];
	[tilespmem:s18+$0xE0] =	vst v53  }
0x1e3: {  	[tilespmem:s17+$0x60] =	vst v54  }
0x1e4: {  	v57 =	vld [tilespmem:s20+$0x80];
	[tilespmem:s17+$0xE0] =	vst v52  }
0x1e5: {  	v4 =	vld [tilespmem:s19+$0x70]  }
0x1e6: {  	v5 =	vld [tilespmem:s20+$0x70]  }
0x1e7: {  	v10 =	vadd.s32 $0x2710, v55;
	_ =	sdelay $0x2  }
0x1e8: {  	v56 =	vadd.s32 $0x2710, v4  }
0x1e9: {  	v58 =	vadd.s32 $0x4E20, v5  }
0x1ea: {  	v10 =	vld.idx.msk [tilespmem:v10+s15+$0x0], $0xffff;
	v4 =	vadd.s32 $0x7530, v4  }
0x1eb: {  	v11 =	vadd.s32 $0x4E20, v57;
	v8 =	vld.idx.msk [tilespmem:v57+s15+$0x0], $0xffff  }
0x1ec: {  	v6 =	vadd.s32 $0x7530, v55;
	v5 =	vld.idx.msk [tilespmem:v5+s15+$0x0], $0xffff  }
0x1ed: {  	v7 =	vld.idx.msk [tilespmem:v56+s15+$0x0], $0xffff  }
0x1ee: {  	v9 =	vld.idx.msk [tilespmem:v58+s15+$0x0], $0xffff  }
0x1ef: {  	v4 =	vld.idx.msk [tilespmem:v4+s15+$0x0], $0xffff  }
0x1f0: {  	v11 =	vld.idx.msk [tilespmem:v11+s15+$0x0], $0xffff  }
0x1f1: {  	v6 =	vld.idx.msk [tilespmem:v6+s15+$0x0], $0xffff;
	_ =	sdelay $0x1  }
0x1f2: {  	v5 =	vmul.f32 v7, v5  }
0x1f3: {  	v4 =	vmul.f32 v4, v9  }
0x1f4: {  	v59 =	vmul.f32 v10, v8;
	v5 =	vadd.f32 $1.000000000e+00, v5  }
0x1f5: {  	v6 =	vmul.f32 v6, v11;
	v4 =	vadd.f32 $1.000000000e+00, v4  }
0x1f6: {  	v60 =	vadd.f32 $1.000000000e+00, v59;
	(erf) = vrcp.f32 v5  }
0x1f7: {  	v61 =	vadd.f32 $1.000000000e+00, v6;
	(erf) = vrcp.f32 v4  }
0x1f8: {  	(erf) = vrcp.f32 v60  }
0x1f9: {  	(erf) = vrcp.f32 v61;
	_ =	sdelay $0x5  }
0x1fa: {  	v62 =	vpop (erf)  }
0x1fb: {  	v63 =	vpop (erf)  }
0x1fc: {  	v12 =	vpop (erf)  }
0x1fd: {  	v13 =	vpop (erf);
	v14 =	vsub.f32 $0.0e+00, v12  }
0x1fe: {  	[tilespmem:s18+$0x100] =	vst v12;
	v15 =	vsub.f32 $0.0e+00, v13  }
0x1ff: {  	[tilespmem:s18+$0x180] =	vst v14  }
0x200: {  	[tilespmem:s17+$0x100] =	vst v15  }
0x201: {  	[tilespmem:s17+$0x180] =	vst v13  }
0x202: {  	v6 =	vld [tilespmem:s19+$0x90]  }
0x203: {  	v7 =	vld [tilespmem:s20+$0x90];
	_ =	sdelay $0x3  }
0x204: {  	v16 =	vadd.s32 $0x2710, v6  }
0x205: {  	v17 =	vadd.s32 $0x4E20, v7  }
0x206: {  	v6 =	vadd.s32 $0x7530, v6;
	_ =	sdelay $0x1  }
0x207: {  	v7 =	vld.idx.msk [tilespmem:v7+s15+$0x0], $0xffff  }
0x208: {  	v8 =	vld.idx.msk [tilespmem:v16+s15+$0x0], $0xffff  }
0x209: {  	v9 =	vld.idx.msk [tilespmem:v17+s15+$0x0], $0xffff  }
0x20a: {  	v6 =	vld.idx.msk [tilespmem:v6+s15+$0x0], $0xffff;
	_ =	sdelay $0x3  }
0x20b: {  	v7 =	vmul.f32 v8, v7  }
0x20c: {  	v6 =	vmul.f32 v6, v9  }
0x20d: {  	v7 =	vadd.f32 $1.000000000e+00, v7  }
0x20e: {  	v6 =	vadd.f32 $1.000000000e+00, v6  }
0x20f: {  	(erf) = vrcp.f32 v7  }
0x210: {  	(erf) = vrcp.f32 v6;
	_ =	sdelay $0x7  }
0x211: {  	v18 =	vpop (erf)  }
0x212: {  	v19 =	vpop (erf);
	v20 =	vsub.f32 $0.0e+00, v18  }
0x213: {  	[tilespmem:s18+$0x110] =	vst v18;
	v21 =	vsub.f32 $0.0e+00, v19  }
0x214: {  	[tilespmem:s18+$0x190] =	vst v20  }
0x215: {  	[tilespmem:s17+$0x110] =	vst v21  }
0x216: {  	[tilespmem:s17+$0x190] =	vst v19  }
0x217: {  	v6 =	vld [tilespmem:s19+$0xA0]  }
0x218: {  	v7 =	vld [tilespmem:s20+$0xA0];
	_ =	sdelay $0x3  }
0x219: {  	v22 =	vadd.s32 $0x2710, v6  }
0x21a: {  	v23 =	vadd.s32 $0x4E20, v7  }
0x21b: {  	v6 =	vadd.s32 $0x7530, v6;
	_ =	sdelay $0x1  }
0x21c: {  	v7 =	vld.idx.msk [tilespmem:v7+s15+$0x0], $0xffff  }
0x21d: {  	v8 =	vld.idx.msk [tilespmem:v22+s15+$0x0], $0xffff  }
0x21e: {  	v9 =	vld.idx.msk [tilespmem:v23+s15+$0x0], $0xffff  }
0x21f: {  	v6 =	vld.idx.msk [tilespmem:v6+s15+$0x0], $0xffff;
	_ =	sdelay $0x3  }
0x220: {  	v7 =	vmul.f32 v8, v7  }
0x221: {  	v6 =	vmul.f32 v6, v9  }
0x222: {  	v7 =	vadd.f32 $1.000000000e+00, v7  }
0x223: {  	v6 =	vadd.f32 $1.000000000e+00, v6  }
0x224: {  	(erf) = vrcp.f32 v7  }
0x225: {  	(erf) = vrcp.f32 v6;
	_ =	sdelay $0x7  }
0x226: {  	v24 =	vpop (erf)  }
0x227: {  	v25 =	vpop (erf);
	v26 =	vsub.f32 $0.0e+00, v24  }
0x228: {  	[tilespmem:s18+$0x120] =	vst v24;
	v27 =	vsub.f32 $0.0e+00, v25  }
0x229: {  	[tilespmem:s18+$0x1A0] =	vst v26  }
0x22a: {  	[tilespmem:s17+$0x120] =	vst v27  }
0x22b: {  	[tilespmem:s17+$0x1A0] =	vst v25  }
0x22c: {  	v6 =	vld [tilespmem:s19+$0xB0]  }
0x22d: {  	v7 =	vld [tilespmem:s20+$0xB0];
	_ =	sdelay $0x3  }
0x22e: {  	v28 =	vadd.s32 $0x2710, v6  }
0x22f: {  	v29 =	vadd.s32 $0x4E20, v7  }
0x230: {  	v6 =	vadd.s32 $0x7530, v6;
	_ =	sdelay $0x1  }
0x231: {  	v7 =	vld.idx.msk [tilespmem:v7+s15+$0x0], $0xffff  }
0x232: {  	v8 =	vld.idx.msk [tilespmem:v28+s15+$0x0], $0xffff  }
0x233: {  	v9 =	vld.idx.msk [tilespmem:v29+s15+$0x0], $0xffff  }
0x234: {  	v6 =	vld.idx.msk [tilespmem:v6+s15+$0x0], $0xffff;
	_ =	sdelay $0x3  }
0x235: {  	v7 =	vmul.f32 v8, v7  }
0x236: {  	v6 =	vmul.f32 v6, v9  }
0x237: {  	v7 =	vadd.f32 $1.000000000e+00, v7  }
0x238: {  	v6 =	vadd.f32 $1.000000000e+00, v6  }
0x239: {  	(erf) = vrcp.f32 v7  }
0x23a: {  	(erf) = vrcp.f32 v6;
	_ =	sdelay $0x7  }
0x23b: {  	v30 =	vpop (erf)  }
0x23c: {  	v31 =	vpop (erf);
	v32 =	vsub.f32 $0.0e+00, v30  }
0x23d: {  	[tilespmem:s18+$0x130] =	vst v30;
	v33 =	vsub.f32 $0.0e+00, v31  }
0x23e: {  	[tilespmem:s18+$0x1B0] =	vst v32  }
0x23f: {  	[tilespmem:s17+$0x130] =	vst v33  }
0x240: {  	[tilespmem:s17+$0x1B0] =	vst v31  }
0x241: {  	v6 =	vld [tilespmem:s19+$0xC0]  }
0x242: {  	v7 =	vld [tilespmem:s20+$0xC0];
	_ =	sdelay $0x3  }
0x243: {  	v34 =	vadd.s32 $0x2710, v6  }
0x244: {  	v35 =	vadd.s32 $0x4E20, v7  }
0x245: {  	v6 =	vadd.s32 $0x7530, v6;
	_ =	sdelay $0x1  }
0x246: {  	v7 =	vld.idx.msk [tilespmem:v7+s15+$0x0], $0xffff  }
0x247: {  	v8 =	vld.idx.msk [tilespmem:v34+s15+$0x0], $0xffff  }
0x248: {  	v9 =	vld.idx.msk [tilespmem:v35+s15+$0x0], $0xffff  }
0x249: {  	v6 =	vld.idx.msk [tilespmem:v6+s15+$0x0], $0xffff;
	_ =	sdelay $0x3  }
0x24a: {  	v7 =	vmul.f32 v8, v7  }
0x24b: {  	v6 =	vmul.f32 v6, v9  }
0x24c: {  	v7 =	vadd.f32 $1.000000000e+00, v7  }
0x24d: {  	v6 =	vadd.f32 $1.000000000e+00, v6  }
0x24e: {  	(erf) = vrcp.f32 v7  }
0x24f: {  	(erf) = vrcp.f32 v6;
	_ =	sdelay $0x7  }
0x250: {  	v36 =	vpop (erf)  }
0x251: {  	v37 =	vpop (erf);
	v38 =	vsub.f32 $0.0e+00, v36  }
0x252: {  	[tilespmem:s18+$0x140] =	vst v36;
	v39 =	vsub.f32 $0.0e+00, v37  }
0x253: {  	[tilespmem:s18+$0x1C0] =	vst v38  }
0x254: {  	[tilespmem:s17+$0x140] =	vst v39  }
0x255: {  	[tilespmem:s17+$0x1C0] =	vst v37  }
0x256: {  	v6 =	vld [tilespmem:s19+$0xD0]  }
0x257: {  	v7 =	vld [tilespmem:s20+$0xD0];
	_ =	sdelay $0x3  }
0x258: {  	v40 =	vadd.s32 $0x2710, v6  }
0x259: {  	v41 =	vadd.s32 $0x4E20, v7  }
0x25a: {  	v6 =	vadd.s32 $0x7530, v6;
	_ =	sdelay $0x1  }
0x25b: {  	v7 =	vld.idx.msk [tilespmem:v7+s15+$0x0], $0xffff  }
0x25c: {  	v8 =	vld.idx.msk [tilespmem:v40+s15+$0x0], $0xffff  }
0x25d: {  	v9 =	vld.idx.msk [tilespmem:v41+s15+$0x0], $0xffff  }
0x25e: {  	v6 =	vld.idx.msk [tilespmem:v6+s15+$0x0], $0xffff;
	_ =	sdelay $0x3  }
0x25f: {  	v7 =	vmul.f32 v8, v7  }
0x260: {  	v6 =	vmul.f32 v6, v9  }
0x261: {  	v7 =	vadd.f32 $1.000000000e+00, v7  }
0x262: {  	v6 =	vadd.f32 $1.000000000e+00, v6  }
0x263: {  	(erf) = vrcp.f32 v7  }
0x264: {  	(erf) = vrcp.f32 v6;
	_ =	sdelay $0x7  }
0x265: {  	v42 =	vpop (erf)  }
0x266: {  	v43 =	vpop (erf);
	v44 =	vsub.f32 $0.0e+00, v42  }
0x267: {  	[tilespmem:s18+$0x150] =	vst v42;
	v45 =	vsub.f32 $0.0e+00, v43  }
0x268: {  	[tilespmem:s18+$0x1D0] =	vst v44  }
0x269: {  	[tilespmem:s17+$0x150] =	vst v45  }
0x26a: {  	[tilespmem:s17+$0x1D0] =	vst v43  }
0x26b: {  	v6 =	vld [tilespmem:s19+$0xE0]  }
0x26c: {  	v7 =	vld [tilespmem:s20+$0xE0];
	_ =	sdelay $0x3  }
0x26d: {  	v46 =	vadd.s32 $0x2710, v6  }
0x26e: {  	v47 =	vadd.s32 $0x4E20, v7  }
0x26f: {  	v6 =	vadd.s32 $0x7530, v6;
	_ =	sdelay $0x1  }
0x270: {  	v7 =	vld.idx.msk [tilespmem:v7+s15+$0x0], $0xffff  }
0x271: {  	v8 =	vld.idx.msk [tilespmem:v46+s15+$0x0], $0xffff  }
0x272: {  	v9 =	vld.idx.msk [tilespmem:v47+s15+$0x0], $0xffff  }
0x273: {  	v6 =	vld.idx.msk [tilespmem:v6+s15+$0x0], $0xffff;
	_ =	sdelay $0x3  }
0x274: {  	v7 =	vmul.f32 v8, v7  }
0x275: {  	v6 =	vmul.f32 v6, v9  }
0x276: {  	v7 =	vadd.f32 $1.000000000e+00, v7  }
0x277: {  	v6 =	vadd.f32 $1.000000000e+00, v6  }
0x278: {  	(erf) = vrcp.f32 v7  }
0x279: {  	(erf) = vrcp.f32 v6;
	_ =	sdelay $0x7  }
0x27a: {  	v48 =	vpop (erf)  }
0x27b: {  	v49 =	vpop (erf);
	v50 =	vsub.f32 $0.0e+00, v48  }
0x27c: {  	[tilespmem:s18+$0x160] =	vst v48;
	v51 =	vsub.f32 $0.0e+00, v49  }
0x27d: {  	[tilespmem:s18+$0x1E0] =	vst v50  }
0x27e: {  	[tilespmem:s17+$0x160] =	vst v51  }
0x27f: {  	[tilespmem:s17+$0x1E0] =	vst v49  }
0x280: {  	v6 =	vld [tilespmem:s19+$0xF0]  }
0x281: {  	v7 =	vld [tilespmem:s20+$0xF0];
	_ =	sdelay $0x3  }
0x282: {  	v52 =	vadd.s32 $0x2710, v6  }
0x283: {  	v53 =	vadd.s32 $0x4E20, v7  }
0x284: {  	v6 =	vadd.s32 $0x7530, v6;
	_ =	sdelay $0x1  }
0x285: {  	v7 =	vld.idx.msk [tilespmem:v7+s15+$0x0], $0xffff  }
0x286: {  	v8 =	vld.idx.msk [tilespmem:v52+s15+$0x0], $0xffff  }
0x287: {  	v9 =	vld.idx.msk [tilespmem:v53+s15+$0x0], $0xffff  }
0x288: {  	v6 =	vld.idx.msk [tilespmem:v6+s15+$0x0], $0xffff;
	_ =	sdelay $0x3  }
0x289: {  	v7 =	vmul.f32 v8, v7  }
0x28a: {  	v6 =	vmul.f32 v6, v9  }
0x28b: {  	v7 =	vadd.f32 $1.000000000e+00, v7  }
0x28c: {  	[tilespmem:s18+$0xFFFFFE70] =	vst v1;
	v54 =	vsub.f32 $0.0e+00, v1;
	v6 =	vadd.f32 $1.000000000e+00, v6  }
0x28d: {  	[tilespmem:s18+$0xFFFFFF70] =	vst v3;
	v55 =	vsub.f32 $0.0e+00, v0;
	(erf) = vrcp.f32 v7  }
0x28e: {  	[tilespmem:s18+$0xFFFFFEF0] =	vst v54;
	(erf) = vrcp.f32 v6  }
0x28f: {  	[tilespmem:s17+$0xFFFFFE70] =	vst v55;
	v56 =	vsub.f32 $0.0e+00, v3  }
0x290: {  	v57 =	vsub.f32 $0.0e+00, v2;
	[tilespmem:s17+$0xFFFFFEF0] =	vst v0  }
0x291: {  	[tilespmem:s18+$0xFFFFFFF0] =	vst v56  }
0x292: {  	[tilespmem:s17+$0xFFFFFF70] =	vst v57  }
0x293: {  	[tilespmem:s17+$0xFFFFFFF0] =	vst v2;
	v58 =	vsub.f32 $0.0e+00, v62  }
0x294: {  	[tilespmem:s18+$0x70] =	vst v62;
	v59 =	vsub.f32 $0.0e+00, v63  }
0x295: {  	s16 =	sadd.s32 $0x4, s16;
	[tilespmem:s18+$0xF0] =	vst v58  }
0x296: {  	p0 =	slt.u32 s16, $0x48;
	[tilespmem:s17+$0x70] =	vst v59;
	v60 =	vpop (erf)  }
.Ltmp0:
0x297: {  	[tilespmem:s17+$0xF0] =	vst v63;
	v61 =	vpop (erf);
	v62 =	vsub.f32 $0.0e+00, v60;
	(pc) =	sbr.rel @p0 .LBB2_2-.Ltmp0, $4  }
0x298: {  	[tilespmem:s18+$0x170] =	vst v60;
	v63 =	vsub.f32 $0.0e+00, v61  }
0x299: {  	[tilespmem:s18+$0x1F0] =	vst v62  }
0x29a: {  	s21 =	simm.s32 $0xC2B0;
	s22 =	simm.s32 $0xEA30;
	s19 =	sadd.s32 $0x200, s19;
	[tilespmem:s17+$0x170] =	vst v63  }
0x29b: {  	s20 =	sadd.s32 $0x200, s20;
	s18 =	sadd.s32 $0x400, s18;
	[tilespmem:s17+$0x1F0] =	vst v61;
	s17 =	sadd.s32 $0x400, s17  }
.LBB2_3:
0x29c: {  	v0 =	vld [tilespmem:s22+$0xFFFFFF90]  }
0x29d: {  	v1 =	vld [tilespmem:s21+$0xFFFFFF90];
	_ =	sdelay $0x3  }
0x29e: {  	v2 =	vadd.s32 $0x2710, v0  }
0x29f: {  	v3 =	vadd.s32 $0x4E20, v1  }
0x2a0: {  	v0 =	vadd.s32 $0x7530, v0;
	_ =	sdelay $0x1  }
0x2a1: {  	v1 =	vld.idx.msk [tilespmem:v1+s2+$0x0], $0xffff  }
0x2a2: {  	v2 =	vld.idx.msk [tilespmem:v2+s2+$0x0], $0xffff  }
0x2a3: {  	v3 =	vld.idx.msk [tilespmem:v3+s2+$0x0], $0xffff  }
0x2a4: {  	v0 =	vld.idx.msk [tilespmem:v0+s2+$0x0], $0xffff;
	_ =	sdelay $0x3  }
0x2a5: {  	v1 =	vmul.f32 v2, v1  }
0x2a6: {  	v0 =	vmul.f32 v0, v3  }
0x2a7: {  	v1 =	vadd.f32 $1.000000000e+00, v1  }
0x2a8: {  	v0 =	vadd.f32 $1.000000000e+00, v0  }
0x2a9: {  	(erf) = vrcp.f32 v1  }
0x2aa: {  	(erf) = vrcp.f32 v0;
	_ =	sdelay $0x7  }
0x2ab: {  	s16 =	sshra.s32 s15, $0x2;
	v18 =	vpop (erf)  }
0x2ac: {  	v19 =	vpop (erf);
	v20 =	vsub.f32 $0.0e+00, v18;
	[tilespmem:s16+$0x13740] =	vst v18  }
0x2ad: {  	v21 =	vsub.f32 $0.0e+00, v19;
	[tilespmem:s16+$0x186C0] =	vst v19  }
0x2ae: {  	[tilespmem:s16+$0x137C0] =	vst v20  }
0x2af: {  	[tilespmem:s16+$0x18640] =	vst v21  }
0x2b0: {  	v0 =	vld [tilespmem:s22+$0xFFFFFFA0]  }
0x2b1: {  	v1 =	vld [tilespmem:s21+$0xFFFFFFA0];
	_ =	sdelay $0x3  }
0x2b2: {  	v22 =	vadd.s32 $0x2710, v0  }
0x2b3: {  	v23 =	vadd.s32 $0x4E20, v1  }
0x2b4: {  	v0 =	vadd.s32 $0x7530, v0;
	_ =	sdelay $0x1  }
0x2b5: {  	v1 =	vld.idx.msk [tilespmem:v1+s2+$0x0], $0xffff  }
0x2b6: {  	v2 =	vld.idx.msk [tilespmem:v22+s2+$0x0], $0xffff  }
0x2b7: {  	v3 =	vld.idx.msk [tilespmem:v23+s2+$0x0], $0xffff  }
0x2b8: {  	v0 =	vld.idx.msk [tilespmem:v0+s2+$0x0], $0xffff;
	_ =	sdelay $0x3  }
0x2b9: {  	v1 =	vmul.f32 v2, v1  }
0x2ba: {  	v0 =	vmul.f32 v0, v3  }
0x2bb: {  	v1 =	vadd.f32 $1.000000000e+00, v1  }
0x2bc: {  	v0 =	vadd.f32 $1.000000000e+00, v0  }
0x2bd: {  	(erf) = vrcp.f32 v1  }
0x2be: {  	(erf) = vrcp.f32 v0;
	_ =	sdelay $0x7  }
0x2bf: {  	v24 =	vpop (erf)  }
0x2c0: {  	v25 =	vpop (erf);
	v26 =	vsub.f32 $0.0e+00, v24;
	[tilespmem:s16+$0x13750] =	vst v24  }
0x2c1: {  	v27 =	vsub.f32 $0.0e+00, v25;
	[tilespmem:s16+$0x186D0] =	vst v25  }
0x2c2: {  	[tilespmem:s16+$0x137D0] =	vst v26  }
0x2c3: {  	[tilespmem:s16+$0x18650] =	vst v27  }
0x2c4: {  	v0 =	vld [tilespmem:s22+$0xFFFFFFB0]  }
0x2c5: {  	v1 =	vld [tilespmem:s21+$0xFFFFFFB0];
	_ =	sdelay $0x3  }
0x2c6: {  	v28 =	vadd.s32 $0x2710, v0  }
0x2c7: {  	v29 =	vadd.s32 $0x4E20, v1  }
0x2c8: {  	v0 =	vadd.s32 $0x7530, v0;
	_ =	sdelay $0x1  }
0x2c9: {  	v1 =	vld.idx.msk [tilespmem:v1+s2+$0x0], $0xffff  }
0x2ca: {  	v2 =	vld.idx.msk [tilespmem:v28+s2+$0x0], $0xffff  }
0x2cb: {  	v3 =	vld.idx.msk [tilespmem:v29+s2+$0x0], $0xffff  }
0x2cc: {  	v0 =	vld.idx.msk [tilespmem:v0+s2+$0x0], $0xffff;
	_ =	sdelay $0x3  }
0x2cd: {  	v1 =	vmul.f32 v2, v1  }
0x2ce: {  	v0 =	vmul.f32 v0, v3  }
0x2cf: {  	v1 =	vadd.f32 $1.000000000e+00, v1  }
0x2d0: {  	v0 =	vadd.f32 $1.000000000e+00, v0  }
0x2d1: {  	(erf) = vrcp.f32 v1  }
0x2d2: {  	(erf) = vrcp.f32 v0;
	_ =	sdelay $0x7  }
0x2d3: {  	v30 =	vpop (erf)  }
0x2d4: {  	v31 =	vpop (erf);
	v32 =	vsub.f32 $0.0e+00, v30;
	[tilespmem:s16+$0x13760] =	vst v30  }
0x2d5: {  	v33 =	vsub.f32 $0.0e+00, v31;
	[tilespmem:s16+$0x186E0] =	vst v31  }
0x2d6: {  	[tilespmem:s16+$0x137E0] =	vst v32  }
0x2d7: {  	[tilespmem:s16+$0x18660] =	vst v33  }
0x2d8: {  	v0 =	vld [tilespmem:s22+$0xFFFFFFC0]  }
0x2d9: {  	v1 =	vld [tilespmem:s21+$0xFFFFFFC0];
	_ =	sdelay $0x3  }
0x2da: {  	v34 =	vadd.s32 $0x2710, v0  }
0x2db: {  	v35 =	vadd.s32 $0x4E20, v1  }
0x2dc: {  	v0 =	vadd.s32 $0x7530, v0;
	_ =	sdelay $0x1  }
0x2dd: {  	v1 =	vld.idx.msk [tilespmem:v1+s2+$0x0], $0xffff  }
0x2de: {  	v2 =	vld.idx.msk [tilespmem:v34+s2+$0x0], $0xffff  }
0x2df: {  	v3 =	vld.idx.msk [tilespmem:v35+s2+$0x0], $0xffff  }
0x2e0: {  	v0 =	vld.idx.msk [tilespmem:v0+s2+$0x0], $0xffff;
	_ =	sdelay $0x3  }
0x2e1: {  	v1 =	vmul.f32 v2, v1  }
0x2e2: {  	v0 =	vmul.f32 v0, v3  }
0x2e3: {  	v1 =	vadd.f32 $1.000000000e+00, v1  }
0x2e4: {  	v0 =	vadd.f32 $1.000000000e+00, v0  }
0x2e5: {  	(erf) = vrcp.f32 v1  }
0x2e6: {  	(erf) = vrcp.f32 v0;
	_ =	sdelay $0x7  }
0x2e7: {  	v36 =	vpop (erf)  }
0x2e8: {  	v37 =	vpop (erf);
	v38 =	vsub.f32 $0.0e+00, v36;
	[tilespmem:s16+$0x13770] =	vst v36  }
0x2e9: {  	v39 =	vsub.f32 $0.0e+00, v37;
	[tilespmem:s16+$0x186F0] =	vst v37  }
0x2ea: {  	[tilespmem:s16+$0x137F0] =	vst v38  }
0x2eb: {  	[tilespmem:s16+$0x18670] =	vst v39  }
0x2ec: {  	v0 =	vld [tilespmem:s22+$0xFFFFFFD0]  }
0x2ed: {  	v1 =	vld [tilespmem:s21+$0xFFFFFFD0];
	_ =	sdelay $0x3  }
0x2ee: {  	v40 =	vadd.s32 $0x2710, v0  }
0x2ef: {  	v41 =	vadd.s32 $0x4E20, v1  }
0x2f0: {  	v0 =	vadd.s32 $0x7530, v0;
	_ =	sdelay $0x1  }
0x2f1: {  	v1 =	vld.idx.msk [tilespmem:v1+s2+$0x0], $0xffff  }
0x2f2: {  	v2 =	vld.idx.msk [tilespmem:v40+s2+$0x0], $0xffff  }
0x2f3: {  	v3 =	vld.idx.msk [tilespmem:v41+s2+$0x0], $0xffff  }
0x2f4: {  	v0 =	vld.idx.msk [tilespmem:v0+s2+$0x0], $0xffff;
	_ =	sdelay $0x3  }
0x2f5: {  	v1 =	vmul.f32 v2, v1  }
0x2f6: {  	v0 =	vmul.f32 v0, v3  }
0x2f7: {  	v1 =	vadd.f32 $1.000000000e+00, v1  }
0x2f8: {  	v0 =	vadd.f32 $1.000000000e+00, v0  }
0x2f9: {  	(erf) = vrcp.f32 v1  }
0x2fa: {  	(erf) = vrcp.f32 v0;
	_ =	sdelay $0x7  }
0x2fb: {  	v42 =	vpop (erf)  }
0x2fc: {  	v43 =	vpop (erf);
	v44 =	vsub.f32 $0.0e+00, v42;
	[tilespmem:s16+$0x13780] =	vst v42  }
0x2fd: {  	v45 =	vsub.f32 $0.0e+00, v43;
	[tilespmem:s16+$0x18700] =	vst v43  }
0x2fe: {  	[tilespmem:s16+$0x13800] =	vst v44  }
0x2ff: {  	[tilespmem:s16+$0x18680] =	vst v45  }
0x300: {  	v0 =	vld [tilespmem:s22+$0xFFFFFFE0]  }
0x301: {  	v1 =	vld [tilespmem:s21+$0xFFFFFFE0];
	_ =	sdelay $0x3  }
0x302: {  	v46 =	vadd.s32 $0x2710, v0  }
0x303: {  	v47 =	vadd.s32 $0x4E20, v1  }
0x304: {  	v0 =	vadd.s32 $0x7530, v0;
	_ =	sdelay $0x1  }
0x305: {  	v1 =	vld.idx.msk [tilespmem:v1+s2+$0x0], $0xffff  }
0x306: {  	v2 =	vld.idx.msk [tilespmem:v46+s2+$0x0], $0xffff  }
0x307: {  	v3 =	vld.idx.msk [tilespmem:v47+s2+$0x0], $0xffff  }
0x308: {  	v0 =	vld.idx.msk [tilespmem:v0+s2+$0x0], $0xffff;
	_ =	sdelay $0x3  }
0x309: {  	v1 =	vmul.f32 v2, v1  }
0x30a: {  	v0 =	vmul.f32 v0, v3  }
0x30b: {  	v1 =	vadd.f32 $1.000000000e+00, v1  }
0x30c: {  	v0 =	vadd.f32 $1.000000000e+00, v0  }
0x30d: {  	(erf) = vrcp.f32 v1  }
0x30e: {  	(erf) = vrcp.f32 v0;
	_ =	sdelay $0x7  }
0x30f: {  	v48 =	vpop (erf)  }
0x310: {  	v49 =	vpop (erf);
	v50 =	vsub.f32 $0.0e+00, v48;
	[tilespmem:s16+$0x13790] =	vst v48  }
0x311: {  	v51 =	vsub.f32 $0.0e+00, v49;
	[tilespmem:s16+$0x18710] =	vst v49  }
0x312: {  	[tilespmem:s16+$0x13810] =	vst v50  }
0x313: {  	[tilespmem:s16+$0x18690] =	vst v51  }
0x314: {  	v0 =	vld [tilespmem:s22+$0xFFFFFFF0]  }
0x315: {  	v1 =	vld [tilespmem:s21+$0xFFFFFFF0];
	_ =	sdelay $0x3  }
0x316: {  	v52 =	vadd.s32 $0x2710, v0  }
0x317: {  	v53 =	vadd.s32 $0x4E20, v1  }
0x318: {  	v0 =	vadd.s32 $0x7530, v0;
	_ =	sdelay $0x1  }
0x319: {  	v1 =	vld.idx.msk [tilespmem:v1+s2+$0x0], $0xffff  }
0x31a: {  	v2 =	vld.idx.msk [tilespmem:v52+s2+$0x0], $0xffff  }
0x31b: {  	v3 =	vld.idx.msk [tilespmem:v53+s2+$0x0], $0xffff  }
0x31c: {  	v0 =	vld.idx.msk [tilespmem:v0+s2+$0x0], $0xffff;
	_ =	sdelay $0x3  }
0x31d: {  	v1 =	vmul.f32 v2, v1  }
0x31e: {  	v0 =	vmul.f32 v0, v3  }
0x31f: {  	v1 =	vadd.f32 $1.000000000e+00, v1  }
0x320: {  	v0 =	vadd.f32 $1.000000000e+00, v0  }
0x321: {  	(erf) = vrcp.f32 v1  }
0x322: {  	(erf) = vrcp.f32 v0;
	_ =	sdelay $0x7  }
0x323: {  	v54 =	vpop (erf)  }
0x324: {  	v55 =	vpop (erf);
	v56 =	vsub.f32 $0.0e+00, v54;
	[tilespmem:s16+$0x137A0] =	vst v54  }
0x325: {  	v57 =	vsub.f32 $0.0e+00, v55;
	[tilespmem:s16+$0x18720] =	vst v55  }
0x326: {  	[tilespmem:s16+$0x13820] =	vst v56  }
0x327: {  	[tilespmem:s16+$0x186A0] =	vst v57  }
0x328: {  	v0 =	vld [tilespmem:s22+$0x0]  }
0x329: {  	v1 =	vld [tilespmem:s21+$0x0];
	_ =	sdelay $0x3  }
0x32a: {  	v58 =	vadd.s32 $0x2710, v0  }
0x32b: {  	v59 =	vadd.s32 $0x4E20, v1  }
0x32c: {  	v0 =	vadd.s32 $0x7530, v0;
	_ =	sdelay $0x1  }
0x32d: {  	v1 =	vld.idx.msk [tilespmem:v1+s2+$0x0], $0xffff  }
0x32e: {  	v2 =	vld.idx.msk [tilespmem:v58+s2+$0x0], $0xffff  }
0x32f: {  	v3 =	vld.idx.msk [tilespmem:v59+s2+$0x0], $0xffff  }
0x330: {  	v0 =	vld.idx.msk [tilespmem:v0+s2+$0x0], $0xffff;
	_ =	sdelay $0x3  }
0x331: {  	v1 =	vmul.f32 v2, v1  }
0x332: {  	v0 =	vmul.f32 v0, v3  }
0x333: {  	v1 =	vadd.f32 $1.000000000e+00, v1  }
0x334: {  	v0 =	vadd.f32 $1.000000000e+00, v0  }
0x335: {  	(erf) = vrcp.f32 v1  }
0x336: {  	(erf) = vrcp.f32 v0;
	_ =	sdelay $0x6  }
0x337: {  	p0 =	sne.s32 s15, $0x800  }
.Ltmp1:
0x338: {  	v60 =	vpop (erf);
	(pc) =	sbr.rel @p0 .LBB2_3-.Ltmp1, $4  }
0x339: {  	v61 =	vpop (erf);
	v62 =	vsub.f32 $0.0e+00, v60;
	[tilespmem:s16+$0x137B0] =	vst v60  }
0x33a: {  	v63 =	vsub.f32 $0.0e+00, v61;
	[tilespmem:s16+$0x18730] =	vst v61  }
0x33b: {  	[tilespmem:s16+$0x13830] =	vst v62  }
0x33c: {  	s15 =	sadd.s32 $0x400, s15;
	s21 =	sadd.s32 $0x80, s21;
	s22 =	sadd.s32 $0x80, s22;
	[tilespmem:s16+$0x186B0] =	vst v63  }
0x33d: {  	[hbm4b:s5+s2] =	stream.linear.scatter [tilespmem:s12], [sflag:$0x1], $0x4F00, $0x38;
	[tilespmem:$0x18940] =	vst v63  }
0x33e: {  	s14 =	sadd.s32 $0x1, s14  }
0x33f: {  	[hbm4b:s7+s2] =	stream.linear.scatter [tilespmem:s13], [sflag:$0x1], $0x4F00, $0x38;
	[tilespmem:$0x18940] =	vst v63  }
0x340: {  	p0 =	sne.s32 s14, s8;
	_ =	swait.ge [sflag:s11], $0x4F00  }
.Ltmp2:
0x341: {  	[sflag:s11] =	ssyncset.done $0x0;
	(pc) =	sbr.rel @p0 .LBB2_1-.Ltmp2, $4  }
0x342: {  	[sflag:s11] =	ssyncadd.s32 $0xFFFFB100  }
0x343: {  	_ =	swait.ge [sflag:s11], $0x4F00  }
0x344: {  	[sflag:s11] =	ssyncset.done $0x0  }
0x345: {  	[sflag:s11] =	ssyncadd.s32 $0xFFFFB100  }
0x346: {  	_ =	sfence.sel $0x180000  }
0x347: {  	[bflag:$0x0] =	sbarrier.arrive $0xFFFF  }
0x348: {  	p0 =	sne.s32 s0, $0x0;
	_ =	strace $0x90000047  }
0x349: {  	s0 =	sadd.s32 @!p0 $0x100000, s1;
	[bflag:$0x2] =	sbarrier.arrive $0xFFFF  }
0x34a: {  	[sflag:s0] =	ssyncadd.tile.s32 @!p0 $0x1;
	_ =	shalt  }
.Lfunc_end2:
_tile_overlayer_lowered:
.L_overlay_start_2:
0x34b: {  	(tag) =	ssettag $0x2  }
0x34c: {  	s0 =	rddreg [dreg:$0x0];
	s2 =	stileid.u32  }
0x34d: {  	s1 =	rddreg [dreg:$0x1];
	p0 =	sne.s32 s2, $0x0  }
0x34e: {  	s3 =	rddreg [dreg:$0x2];
	[bflag:$0x3] =	sbarrier.arrive $0xFFFF;
	s2 =	simm.s32 @!p0 $0x1C02  }
0x34f: {  	[timem:s3], [sflag:s2] =	dma.local @!p0 [hbm:s0], s1  }
0x350: {  	s0 =	simm.s32 @!p0 $0x2  }
0x351: {  	_ =	swait.ge @!p0 [sflag:s0], s1  }
0x352: {  	s1 =	ssub.s32 @!p0 $0x0, s1;
	[sflag:s0] =	ssyncset.done @!p0 $0x0  }
0x353: {  	[sflag:s0] =	ssyncadd.s32 @!p0 s1  }
0x354: {  	[bflag:$0x3] =	sbarrier.arrive $0xFFFF  }
0x355: {  	_ =	shalt  }

</sc_bundles>
